<compile_context>
chip_gen: v7x
topology: tpu7x:2x2x1
jax: 0.10.2.dev20260603
libtpu: 0.0.44.dev20260713+nightly
codegen_flags: <defaults>
</compile_context>

<pallas_src>
import functools

import jax
import jax.numpy as jnp
from jax import lax
from jax.experimental import pallas as pl
from jax.experimental.pallas import tpu as pltpu
from jax.experimental.pallas import tpu_sc as plsc

_NC = 2
_NS = 16
_NW = _NC * _NS
_L = 16
_C = 80


def _sc_mesh():
    return plsc.VectorSubcoreMesh(core_axis_name="c", subcore_axis_name="s")


@functools.lru_cache(maxsize=None)
def _make_deg_kernel(E: int, NP: int):
    EPT = E // _NW
    NCH = EPT // _C
    assert NCH * _C == EPT
    G = 5
    assert NCH % G == 0
    RPT = NP // _NS

    @functools.partial(
        pl.kernel,
        out_type=jax.ShapeDtypeStruct((_NC, NP), jnp.float32),
        mesh=_sc_mesh(),
        compiler_params=pltpu.CompilerParams(use_tc_tiling_on_sc=False),
        scratch_types=[
            pltpu.VMEM((NCH, _C), jnp.int32),
            pltpu.VMEM((_C,), jnp.float32),
            pltpu.VMEM((RPT,), jnp.float32),
            pltpu.VMEM_SHARED((NP,), jnp.float32),
            pltpu.SemaphoreType.DMA,
        ],
    )
    def deg_kernel(ei_hbm, out_hbm, idx_all, ones_v, zero_v, deg_sh, sem):
        c = lax.axis_index("c")
        s = lax.axis_index("s")

        for j in range(_C // _L):
            ones_v[pl.ds(j * _L, _L)] = jnp.ones((_L,), jnp.float32)

        def zfill(i, carry):
            zero_v[pl.ds(i * _L, _L)] = jnp.zeros((_L,), jnp.float32)
            return carry
        lax.fori_loop(0, RPT // _L, zfill, 0)

        idx_dma = pltpu.async_copy(ei_hbm.at[0, s, pl.ds(c * NCH, NCH), :],
                                   idx_all, sem)
        off = s * RPT
        pltpu.sync_copy(zero_v, deg_sh.at[pl.ds(off, RPT)])
        idx_dma.wait()
        plsc.subcore_barrier()

        def body(i, carry):
            descs = [
                pltpu.async_copy(ones_v, deg_sh.at[idx_all.at[i * G + g]],
                                 sem, add=True)
                for g in range(G)
            ]
            for d in descs:
                d.wait()
            return carry
        lax.fori_loop(0, NCH // G, body, 0)

        plsc.subcore_barrier()
        pltpu.sync_copy(deg_sh.at[pl.ds(off, RPT)],
                        out_hbm.at[c, pl.ds(off, RPT)])

    return deg_kernel


@functools.lru_cache(maxsize=None)
def _make_agg_kernel(E: int, NP: int, D: int):
    Dh = D // 2
    EPT = E // _NS
    NCH = EPT // _C
    assert NCH * _C == EPT
    NB = 4
    NG = NCH // NB
    RPT = NP // _NS
    ZR = 64

    @functools.partial(
        pl.kernel,
        out_type=(jax.ShapeDtypeStruct((_NC, NP, Dh), jnp.float32),
                  jax.ShapeDtypeStruct((NP,), jnp.float32)),
        mesh=_sc_mesh(),
        compiler_params=pltpu.CompilerParams(use_tc_tiling_on_sc=False),
        scratch_types=[
            pltpu.VMEM((NCH, _C), jnp.int32),
            pltpu.VMEM((NCH, _C), jnp.int32),
            pltpu.VMEM((_C, Dh), jnp.float32),
            pltpu.VMEM((_C, Dh), jnp.float32),
            pltpu.VMEM((_C, Dh), jnp.float32),
            pltpu.VMEM((_C, Dh), jnp.float32),
            pltpu.VMEM((ZR, Dh), jnp.float32),
            pltpu.VMEM((_C,), jnp.float32),
            pltpu.VMEM((RPT,), jnp.float32),
            pltpu.VMEM_SHARED((NP, Dh), jnp.float32),
            pltpu.VMEM_SHARED((NP,), jnp.float32),
            pltpu.SemaphoreType.DMA,
            pltpu.SemaphoreType.DMA,
            pltpu.SemaphoreType.DMA,
            pltpu.SemaphoreType.DMA,
            pltpu.SemaphoreType.DMA,
        ],
    )
    def agg_kernel(h_hbm, ei_hbm, agg_hbm, din_hbm,
                   src_all, dst_all, r0, r1, r2, r3, zbuf, ones_v, zero_v,
                   agg_sh, din_sh, sg0, sg1, sg2, sg3, sem_d):
        rows = (r0, r1, r2, r3)
        sems = (sg0, sg1, sg2, sg3)
        c = lax.axis_index("c")
        s = lax.axis_index("s")

        src_dma = pltpu.async_copy(ei_hbm.at[0, s], src_all, sg0)
        dst_dma = pltpu.async_copy(ei_hbm.at[1, s], dst_all, sg1)

        for j in range(_C // _L):
            ones_v[pl.ds(j * _L, _L)] = jnp.ones((_L,), jnp.float32)

        def zfill(i, carry):
            for j in range(Dh // _L):
                zbuf[i, pl.ds(j * _L, _L)] = jnp.zeros((_L,), jnp.float32)
            return carry
        lax.fori_loop(0, ZR, zfill, 0)

        def zfill1(i, carry):
            zero_v[pl.ds(i * _L, _L)] = jnp.zeros((_L,), jnp.float32)
            return carry
        lax.fori_loop(0, RPT // _L, zfill1, 0)

        def zcopy(k, carry):
            pltpu.sync_copy(zbuf, agg_sh.at[pl.ds(s * RPT + k * ZR, ZR), :])
            return carry
        lax.fori_loop(0, RPT // ZR, zcopy, 0)

        @pl.when(c == 0)
        def _():
            pltpu.sync_copy(zero_v, din_sh.at[pl.ds(s * RPT, RPT)])
        src_dma.wait()
        dst_dma.wait()
        plsc.subcore_barrier()

        for b in range(NB):
            pltpu.async_copy(h_hbm.at[c].at[src_all.at[b]], rows[b], sems[b])

        def slot(k, b):
            pltpu.make_async_copy(h_hbm.at[c].at[src_all.at[k]], rows[b],
                                  sems[b]).wait()
            pltpu.sync_copy(rows[b], agg_sh.at[dst_all.at[k]], add=True)

            @pl.when(c == 0)
            def _():
                pltpu.async_copy(ones_v, din_sh.at[dst_all.at[k]], sem_d,
                                 add=True)

            @pl.when((c == 0) & (k >= NB))
            def _():
                pltpu.make_async_copy(ones_v, din_sh.at[dst_all.at[k]],
                                      sem_d).wait()

            @pl.when(k + NB < NCH)
            def _():
                pltpu.async_copy(h_hbm.at[c].at[src_all.at[k + NB]], rows[b],
                                 sems[b])

        def body(i, carry):
            for b in range(NB):
                slot(i * NB + b, b)
            return carry
        lax.fori_loop(0, NG, body, 0)
        for k in range(NG * NB, NCH):
            slot(k, k - NG * NB)

        @pl.when(c == 0)
        def _():
            for _i in range(NB):
                pltpu.make_async_copy(ones_v, din_sh.at[dst_all.at[0]],
                                      sem_d).wait()

        plsc.subcore_barrier()
        pltpu.sync_copy(agg_sh.at[pl.ds(s * RPT, RPT), :],
                        agg_hbm.at[c, pl.ds(s * RPT, RPT), :])

        @pl.when(c == 0)
        def _():
            pltpu.sync_copy(din_sh.at[pl.ds(s * RPT, RPT)],
                            din_hbm.at[pl.ds(s * RPT, RPT)])

    return agg_kernel


def _h_body(f_ref, d_ref, o_ref):
    d = d_ref[0] + d_ref[1]
    norm = lax.rsqrt(jnp.maximum(d, 1.0))[:, None]
    x = f_ref[...] * norm
    Dh = x.shape[1] // 2
    o_ref[0] = x[:, :Dh]
    o_ref[1] = x[:, Dh:]


def _fin_body(a_ref, d_ref, w_ref, b_ref, o_ref):
    a = jnp.concatenate([a_ref[0], a_ref[1]], axis=1)
    norm = lax.rsqrt(jnp.maximum(d_ref[...], 1.0))[:, None]
    y = jnp.dot(a * norm, w_ref[...], preferred_element_type=jnp.float32)
    o_ref[...] = jnp.maximum(y + b_ref[...], 0.0)


def kernel(features, edge_index, W, b):
    N, D = features.shape
    E = edge_index.shape[1]
    NP = ((N + _NW * _L - 1) // (_NW * _L)) * (_NW * _L)
    EPS = E // _NS
    ei4 = edge_index.reshape(2, _NS, EPS // _C, _C)

    degp = _make_deg_kernel(E, NP)(ei4)

    R = 4096
    G = (N + R - 1) // R
    Dh = D // 2
    h2 = pl.pallas_call(
        _h_body,
        grid=(G,),
        in_specs=[
            pl.BlockSpec((R, D), lambda i: (i, 0)),
            pl.BlockSpec((_NC, R), lambda i: (0, i)),
        ],
        out_specs=pl.BlockSpec((_NC, R, Dh), lambda i: (0, i, 0)),
        out_shape=jax.ShapeDtypeStruct((_NC, N, Dh), jnp.float32),
    )(features, degp)

    aggp, din = _make_agg_kernel(E, NP, D)(h2, ei4)

    out = pl.pallas_call(
        _fin_body,
        grid=(G,),
        in_specs=[
            pl.BlockSpec((_NC, R, Dh), lambda i: (0, i, 0)),
            pl.BlockSpec((R,), lambda i: (i,)),
            pl.BlockSpec((D, D), lambda i: (0, 0)),
            pl.BlockSpec((1, D), lambda i: (0, 0)),
        ],
        out_specs=pl.BlockSpec((R, D), lambda i: (i, 0)),
        out_shape=jax.ShapeDtypeStruct((N, D), jnp.float32),
    )(aggp, din, W, b.reshape(1, D))
    return out

# --- scband reference (transcript-rebuilt; emitter-appended) ---
"""Pipeline reference for scband-gcn-11433202942732 (READ-ONLY COPY).

The authoritative reference and input builder live on the scoring server;
editing this copy changes nothing except your own understanding.
"""

import jax, jax.numpy as jnp
import numpy as np

N = 10000
E = 320000
D_IN = 128
D_HID = 128


def setup_inputs(seed: int = 0) -> dict:
    key = jax.random.key(seed)
    k1, k2, k3 = jax.random.split(key, 3)
    features = jax.random.normal(k1, (N, D_IN), dtype=jnp.float32)
    edge_index = jax.random.randint(k2, (2, E), 0, N, dtype=jnp.int32)
    # GraphConv weight: xavier-uniform init as in DGL GraphConv
    limit = float(np.sqrt(6.0 / (D_IN + D_HID)))
    W = jax.random.uniform(k3, (D_IN, D_HID), dtype=jnp.float32, minval=-limit, maxval=limit)
    b = jnp.zeros((D_HID,), dtype=jnp.float32)
    return {"features": features, "edge_index": edge_index, "W": W, "b": b}


def reference(features, edge_index, W, b):
    # Faithful DGL GraphConv(norm='both', activation=relu) forward.
    src = edge_index[0]
    dst = edge_index[1]
    ones = jnp.ones((E,), dtype=jnp.float32)
    deg_out = jax.ops.segment_sum(ones, src, num_segments=N)
    deg_in = jax.ops.segment_sum(ones, dst, num_segments=N)
    norm_src = jax.lax.rsqrt(jnp.clip(deg_out, 1.0, None))
    norm_dst = jax.lax.rsqrt(jnp.clip(deg_in, 1.0, None))
    # in_feats <= out_feats: aggregate first, then matmul (DGL ordering)
    h = features * norm_src[:, None]
    msgs = jnp.take(h, src, axis=0)
    agg = jax.ops.segment_sum(msgs, dst, num_segments=N)
    agg = agg * norm_dst[:, None]
    out = agg @ W + b
    out = jax.nn.relu(out)
    # dropout is defined in the module but not applied in forward
    return out

if __name__ == "__main__":
    import jax
    _d = setup_inputs()
    print(jax.jit(kernel)(*tuple(_d.values())))

</pallas_src>

<mosaic_0001>
#map = affine_map<(d0, d1) -> (0, 0, 0)>
#map1 = affine_map<(d0, d1) -> (0, 0, 0, 0)>
#map2 = affine_map<(d0, d1) -> (0)>
module attributes {stable_mosaic.version = 14 : i64} {
  func.func @agg_kernel(%arg0: i32, %arg1: i32, %arg2: memref<2x10000x64xf32, #tpu.memory_space<hbm>>, %arg3: memref<2x16x250x80xi32, #tpu.memory_space<hbm>>, %arg4: memref<2x10240x64xf32, #tpu.memory_space<hbm>>, %arg5: memref<10240xf32, #tpu.memory_space<hbm>>, %arg6: memref<250x80xi32, #tpu.memory_space<vmem>>, %arg7: memref<250x80xi32, #tpu.memory_space<vmem>>, %arg8: memref<80x64xf32, #tpu.memory_space<vmem>>, %arg9: memref<80x64xf32, #tpu.memory_space<vmem>>, %arg10: memref<80x64xf32, #tpu.memory_space<vmem>>, %arg11: memref<80x64xf32, #tpu.memory_space<vmem>>, %arg12: memref<64x64xf32, #tpu.memory_space<vmem>>, %arg13: memref<80xf32, #tpu.memory_space<vmem>>, %arg14: memref<640xf32, #tpu.memory_space<vmem>>, %arg15: memref<10240x64xf32, #tpu.memory_space<vmem_shared>>, %arg16: memref<10240xf32, #tpu.memory_space<vmem_shared>>, %arg17: memref<!tpu.dma_semaphore, #tpu.memory_space<semaphore_mem>>, %arg18: memref<!tpu.dma_semaphore, #tpu.memory_space<semaphore_mem>>, %arg19: memref<!tpu.dma_semaphore, #tpu.memory_space<semaphore_mem>>, %arg20: memref<!tpu.dma_semaphore, #tpu.memory_space<semaphore_mem>>, %arg21: memref<!tpu.dma_semaphore, #tpu.memory_space<semaphore_mem>>) attributes {dimension_semantics = [#tpu.dimension_semantics<core_parallel>, #tpu.dimension_semantics<subcore_parallel>], iteration_bounds = array<i64: 2, 16>, scalar_prefetch = 0 : i64, scratch_operands = 16 : i64, tpu.core_type = #tpu.core_type<sc_vector_subcore>, window_params = [{transform_indices = #map}, {transform_indices = #map1}, {transform_indices = #map}, {transform_indices = #map2}]} {
    %dma_start3A = arith.constant 0 : i32
    %dma_start3A_0 = arith.constant 0 : i32
    %dma_start3A_1 = arith.constant 0 : i32
    %dma_start3A_2 = tpu.memref_slice %arg3[%dma_start3A, %arg1, %dma_start3A_0, %dma_start3A_1] : memref<2x16x250x80xi32, #tpu.memory_space<hbm>> -> memref<1x1x250x80xi32, #tpu.memory_space<hbm>>
    %dma_start3A_3 = tpu.memref_squeeze %dma_start3A_2 : memref<1x1x250x80xi32, #tpu.memory_space<hbm>> -> memref<250x80xi32, #tpu.memory_space<hbm>>
    %dma_start3A_4 = arith.constant 0 : i32
    %dma_start3A_5 = arith.constant 0 : i32
    %dma_start3A_6 = tpu.memref_slice %arg3[%dma_start3A, %arg1, %dma_start3A_4, %dma_start3A_5] : memref<2x16x250x80xi32, #tpu.memory_space<hbm>> -> memref<1x1x250x80xi32, #tpu.memory_space<hbm>>
    %dma_start3A_7 = tpu.memref_squeeze %dma_start3A_6 : memref<1x1x250x80xi32, #tpu.memory_space<hbm>> -> memref<250x80xi32, #tpu.memory_space<hbm>>
    tpu.enqueue_dma source(%dma_start3A_7 : memref<250x80xi32, #tpu.memory_space<hbm>>) target(%arg6 : memref<250x80xi32, #tpu.memory_space<vmem>>) target_semaphore(%arg17 : memref<!tpu.dma_semaphore, #tpu.memory_space<semaphore_mem>>)
    %dma_start3A_8 = arith.constant 1 : i32
    %dma_start3A_9 = arith.constant 0 : i32
    %dma_start3A_10 = arith.constant 0 : i32
    %dma_start3A_11 = tpu.memref_slice %arg3[%dma_start3A_8, %arg1, %dma_start3A_9, %dma_start3A_10] : memref<2x16x250x80xi32, #tpu.memory_space<hbm>> -> memref<1x1x250x80xi32, #tpu.memory_space<hbm>>
    %dma_start3A_12 = tpu.memref_squeeze %dma_start3A_11 : memref<1x1x250x80xi32, #tpu.memory_space<hbm>> -> memref<250x80xi32, #tpu.memory_space<hbm>>
    %dma_start3A_13 = arith.constant 0 : i32
    %dma_start3A_14 = arith.constant 0 : i32
    %dma_start3A_15 = tpu.memref_slice %arg3[%dma_start3A_8, %arg1, %dma_start3A_13, %dma_start3A_14] : memref<2x16x250x80xi32, #tpu.memory_space<hbm>> -> memref<1x1x250x80xi32, #tpu.memory_space<hbm>>
    %dma_start3A_16 = tpu.memref_squeeze %dma_start3A_15 : memref<1x1x250x80xi32, #tpu.memory_space<hbm>> -> memref<250x80xi32, #tpu.memory_space<hbm>>
    tpu.enqueue_dma source(%dma_start3A_16 : memref<250x80xi32, #tpu.memory_space<hbm>>) target(%arg7 : memref<250x80xi32, #tpu.memory_space<vmem>>) target_semaphore(%arg18 : memref<!tpu.dma_semaphore, #tpu.memory_space<semaphore_mem>>)
    %broadcast_in_dim3A = arith.constant 1.000000e+00 : f32
    %broadcast_in_dim3A_17 = vector.broadcast %broadcast_in_dim3A : f32 to vector<16xf32>
    %swap3A = arith.constant 0 : index
    %swap3A_18 = tpu.vector_load %arg13[%swap3A] {strides = array<i32>} : memref<80xf32, #tpu.memory_space<vmem>>, vector<16xf32>,
    %swap3A_19 = vector.shape_cast %swap3A_18 : vector<16xf32> to vector<16xf32>
    %swap3A_20 = vector.shape_cast %broadcast_in_dim3A_17 : vector<16xf32> to vector<16xf32>
    tpu.vector_store %arg13[%swap3A], %swap3A_20 {strides = array<i32>} : memref<80xf32, #tpu.memory_space<vmem>>, vector<16xf32>,
    %broadcast_in_dim3A_21 = arith.constant 1.000000e+00 : f32
    %broadcast_in_dim3A_22 = vector.broadcast %broadcast_in_dim3A_21 : f32 to vector<16xf32>
    %swap3A_23 = arith.constant 16 : index
    %swap3A_24 = tpu.vector_load %arg13[%swap3A_23] {strides = array<i32>} : memref<80xf32, #tpu.memory_space<vmem>>, vector<16xf32>,
    %swap3A_25 = vector.shape_cast %swap3A_24 : vector<16xf32> to vector<16xf32>
    %swap3A_26 = vector.shape_cast %broadcast_in_dim3A_22 : vector<16xf32> to vector<16xf32>
    tpu.vector_store %arg13[%swap3A_23], %swap3A_26 {strides = array<i32>} : memref<80xf32, #tpu.memory_space<vmem>>, vector<16xf32>,
    %broadcast_in_dim3A_27 = arith.constant 1.000000e+00 : f32
    %broadcast_in_dim3A_28 = vector.broadcast %broadcast_in_dim3A_27 : f32 to vector<16xf32>
    %swap3A_29 = arith.constant 32 : index
    %swap3A_30 = tpu.vector_load %arg13[%swap3A_29] {strides = array<i32>} : memref<80xf32, #tpu.memory_space<vmem>>, vector<16xf32>,
    %swap3A_31 = vector.shape_cast %swap3A_30 : vector<16xf32> to vector<16xf32>
    %swap3A_32 = vector.shape_cast %broadcast_in_dim3A_28 : vector<16xf32> to vector<16xf32>
    tpu.vector_store %arg13[%swap3A_29], %swap3A_32 {strides = array<i32>} : memref<80xf32, #tpu.memory_space<vmem>>, vector<16xf32>,
    %broadcast_in_dim3A_33 = arith.constant 1.000000e+00 : f32
    %broadcast_in_dim3A_34 = vector.broadcast %broadcast_in_dim3A_33 : f32 to vector<16xf32>
    %swap3A_35 = arith.constant 48 : index
    %swap3A_36 = tpu.vector_load %arg13[%swap3A_35] {strides = array<i32>} : memref<80xf32, #tpu.memory_space<vmem>>, vector<16xf32>,
    %swap3A_37 = vector.shape_cast %swap3A_36 : vector<16xf32> to vector<16xf32>
    %swap3A_38 = vector.shape_cast %broadcast_in_dim3A_34 : vector<16xf32> to vector<16xf32>
    tpu.vector_store %arg13[%swap3A_35], %swap3A_38 {strides = array<i32>} : memref<80xf32, #tpu.memory_space<vmem>>, vector<16xf32>,
    %broadcast_in_dim3A_39 = arith.constant 1.000000e+00 : f32
    %broadcast_in_dim3A_40 = vector.broadcast %broadcast_in_dim3A_39 : f32 to vector<16xf32>
    %swap3A_41 = arith.constant 64 : index
    %swap3A_42 = tpu.vector_load %arg13[%swap3A_41] {strides = array<i32>} : memref<80xf32, #tpu.memory_space<vmem>>, vector<16xf32>,
    %swap3A_43 = vector.shape_cast %swap3A_42 : vector<16xf32> to vector<16xf32>
    %swap3A_44 = vector.shape_cast %broadcast_in_dim3A_40 : vector<16xf32> to vector<16xf32>
    tpu.vector_store %arg13[%swap3A_41], %swap3A_44 {strides = array<i32>} : memref<80xf32, #tpu.memory_space<vmem>>, vector<16xf32>,
    %scan3A = arith.constant 0 : i32
    %scan3A_45 = arith.constant 0 : i32
    %scan3A_46 = arith.constant 64 : i32
    %scan3A_47 = arith.addi %scan3A_45, %scan3A_46 : i32
    %scan3A_48 = arith.constant 1 : i32
    scf.for %scan3A_191 = %scan3A_45 to %scan3A_47 step %scan3A_48  : i32 {
      %broadcast_in_dim3A_192 = arith.constant 0.000000e+00 : f32
      %broadcast_in_dim3A_193 = vector.broadcast %broadcast_in_dim3A_192 : f32 to vector<16xf32>
      %swap3A_194 = arith.index_cast %scan3A_191 : i32 to index
      %swap3A_195 = arith.constant 0 : index
      %swap3A_196 = tpu.vector_load %arg12[%swap3A_194, %swap3A_195] {strides = array<i32>} : memref<64x64xf32, #tpu.memory_space<vmem>>, vector<1x16xf32>,
      %swap3A_197 = vector.shape_cast %swap3A_196 : vector<1x16xf32> to vector<16xf32>
      %swap3A_198 = vector.shape_cast %broadcast_in_dim3A_193 : vector<16xf32> to vector<1x16xf32>
      tpu.vector_store %arg12[%swap3A_194, %swap3A_195], %swap3A_198 {strides = array<i32>} : memref<64x64xf32, #tpu.memory_space<vmem>>, vector<1x16xf32>,
      %broadcast_in_dim3A_199 = arith.constant 0.000000e+00 : f32
      %broadcast_in_dim3A_200 = vector.broadcast %broadcast_in_dim3A_199 : f32 to vector<16xf32>
      %swap3A_201 = arith.index_cast %scan3A_191 : i32 to index
      %swap3A_202 = arith.constant 16 : index
      %swap3A_203 = tpu.vector_load %arg12[%swap3A_201, %swap3A_202] {strides = array<i32>} : memref<64x64xf32, #tpu.memory_space<vmem>>, vector<1x16xf32>,
      %swap3A_204 = vector.shape_cast %swap3A_203 : vector<1x16xf32> to vector<16xf32>
      %swap3A_205 = vector.shape_cast %broadcast_in_dim3A_200 : vector<16xf32> to vector<1x16xf32>
      tpu.vector_store %arg12[%swap3A_201, %swap3A_202], %swap3A_205 {strides = array<i32>} : memref<64x64xf32, #tpu.memory_space<vmem>>, vector<1x16xf32>,
      %broadcast_in_dim3A_206 = arith.constant 0.000000e+00 : f32
      %broadcast_in_dim3A_207 = vector.broadcast %broadcast_in_dim3A_206 : f32 to vector<16xf32>
      %swap3A_208 = arith.index_cast %scan3A_191 : i32 to index
      %swap3A_209 = arith.constant 32 : index
      %swap3A_210 = tpu.vector_load %arg12[%swap3A_208, %swap3A_209] {strides = array<i32>} : memref<64x64xf32, #tpu.memory_space<vmem>>, vector<1x16xf32>,
      %swap3A_211 = vector.shape_cast %swap3A_210 : vector<1x16xf32> to vector<16xf32>
      %swap3A_212 = vector.shape_cast %broadcast_in_dim3A_207 : vector<16xf32> to vector<1x16xf32>
      tpu.vector_store %arg12[%swap3A_208, %swap3A_209], %swap3A_212 {strides = array<i32>} : memref<64x64xf32, #tpu.memory_space<vmem>>, vector<1x16xf32>,
      %broadcast_in_dim3A_213 = arith.constant 0.000000e+00 : f32
      %broadcast_in_dim3A_214 = vector.broadcast %broadcast_in_dim3A_213 : f32 to vector<16xf32>
      %swap3A_215 = arith.index_cast %scan3A_191 : i32 to index
      %swap3A_216 = arith.constant 48 : index
      %swap3A_217 = tpu.vector_load %arg12[%swap3A_215, %swap3A_216] {strides = array<i32>} : memref<64x64xf32, #tpu.memory_space<vmem>>, vector<1x16xf32>,
      %swap3A_218 = vector.shape_cast %swap3A_217 : vector<1x16xf32> to vector<16xf32>
      %swap3A_219 = vector.shape_cast %broadcast_in_dim3A_214 : vector<16xf32> to vector<1x16xf32>
      tpu.vector_store %arg12[%swap3A_215, %swap3A_216], %swap3A_219 {strides = array<i32>} : memref<64x64xf32, #tpu.memory_space<vmem>>, vector<1x16xf32>,
    }
    %scan3A_49 = arith.constant 64 : i32
    %scan3A_50 = arith.constant 0 : i32
    %scan3A_51 = arith.constant 0 : i32
    %scan3A_52 = arith.constant 40 : i32
    %scan3A_53 = arith.addi %scan3A_51, %scan3A_52 : i32
    %scan3A_54 = arith.constant 1 : i32
    scf.for %scan3A_191 = %scan3A_51 to %scan3A_53 step %scan3A_54  : i32 {
      %broadcast_in_dim3A_192 = arith.constant 0.000000e+00 : f32
      %broadcast_in_dim3A_193 = vector.broadcast %broadcast_in_dim3A_192 : f32 to vector<16xf32>
      %mul3A_194 = arith.constant 16 : i32
      %mul3A_195 = arith.muli %scan3A_191, %mul3A_194 : i32
      %swap3A_196 = arith.index_cast %mul3A_195 : i32 to index
      %swap3A_197 = tpu.vector_load %arg14[%swap3A_196] {strides = array<i32>} : memref<640xf32, #tpu.memory_space<vmem>>, vector<16xf32>,
      %swap3A_198 = vector.shape_cast %swap3A_197 : vector<16xf32> to vector<16xf32>
      %swap3A_199 = vector.shape_cast %broadcast_in_dim3A_193 : vector<16xf32> to vector<16xf32>
      tpu.vector_store %arg14[%swap3A_196], %swap3A_199 {strides = array<i32>} : memref<640xf32, #tpu.memory_space<vmem>>, vector<16xf32>,
    }
    %scan3A_55 = arith.constant 40 : i32
    %scan3A_56 = arith.constant 0 : i32
    %scan3A_57 = arith.constant 0 : i32
    %scan3A_58 = arith.constant 10 : i32
    %scan3A_59 = arith.addi %scan3A_57, %scan3A_58 : i32
    %scan3A_60 = arith.constant 1 : i32
    scf.for %scan3A_191 = %scan3A_57 to %scan3A_59 step %scan3A_60  : i32 {
      %mul3A_192 = arith.constant 640 : i32
      %mul3A_193 = arith.muli %arg1, %mul3A_192 : i32
      %mul3A_194 = arith.constant 64 : i32
      %mul3A_195 = arith.muli %scan3A_191, %mul3A_194 : i32
      %add3A = arith.addi %mul3A_193, %mul3A_195 : i32
      "tpu.region"() ({
        %run_scoped3A_196 = tpu.sem_alloc : memref<!tpu.dma_semaphore, #tpu.memory_space<semaphore_mem>>
        %dma_start3A_197 = arith.constant 0 : i32
        %dma_start3A_198 = tpu.memref_slice %arg15[%add3A, %dma_start3A_197] : memref<10240x64xf32, #tpu.memory_space<vmem_shared>> -> memref<64x64xf32, #tpu.memory_space<vmem_shared>>
        %dma_start3A_199 = arith.constant 0 : i32
        %dma_start3A_200 = tpu.memref_slice %arg15[%add3A, %dma_start3A_199] : memref<10240x64xf32, #tpu.memory_space<vmem_shared>> -> memref<64x64xf32, #tpu.memory_space<vmem_shared>>
        tpu.enqueue_dma source(%arg12 : memref<64x64xf32, #tpu.memory_space<vmem>>) target(%dma_start3A_200 : memref<64x64xf32, #tpu.memory_space<vmem_shared>>) target_semaphore(%run_scoped3A_196 : memref<!tpu.dma_semaphore, #tpu.memory_space<semaphore_mem>>)
        %dma_wait3A_201 = arith.constant 0 : i32
        %dma_wait3A_202 = tpu.memref_slice %arg15[%add3A, %dma_wait3A_201] : memref<10240x64xf32, #tpu.memory_space<vmem_shared>> -> memref<64x64xf32, #tpu.memory_space<vmem_shared>>
        %dma_wait3A_203 = arith.constant 0 : i32
        %dma_wait3A_204 = tpu.memref_slice %arg15[%add3A, %dma_wait3A_203] : memref<10240x64xf32, #tpu.memory_space<vmem_shared>> -> memref<64x64xf32, #tpu.memory_space<vmem_shared>>
        tpu.wait_dma2 semaphore(%run_scoped3A_196 : memref<!tpu.dma_semaphore, #tpu.memory_space<semaphore_mem>>) src(%arg12 : memref<64x64xf32, #tpu.memory_space<vmem>>) dst(%dma_wait3A_204 : memref<64x64xf32, #tpu.memory_space<vmem_shared>>)
        tpu.yield
      }) : () -> ()
    }
    %scan3A_61 = arith.constant 10 : i32
    %eq3A = arith.constant 0 : i32
    %eq3A_62 = arith.cmpi eq, %arg0, %eq3A : i32
    %convert_element_type3A = arith.extui %eq3A_62 : i1 to i32
    %cond3A = arith.constant 0 : i32
    %cond3A_63 = arith.cmpi ne, %convert_element_type3A, %cond3A : i32
    scf.if %cond3A_63 {
      %mul3A_191 = arith.constant 640 : i32
      %mul3A_192 = arith.muli %arg1, %mul3A_191 : i32
      "tpu.region"() ({
        %run_scoped3A_193 = tpu.sem_alloc : memref<!tpu.dma_semaphore, #tpu.memory_space<semaphore_mem>>
        %dma_start3A_194 = tpu.memref_slice %arg16[%mul3A_192] : memref<10240xf32, #tpu.memory_space<vmem_shared>> -> memref<640xf32, #tpu.memory_space<vmem_shared>>
        %dma_start3A_195 = tpu.memref_slice %arg16[%mul3A_192] : memref<10240xf32, #tpu.memory_space<vmem_shared>> -> memref<640xf32, #tpu.memory_space<vmem_shared>>
        tpu.enqueue_dma source(%arg14 : memref<640xf32, #tpu.memory_space<vmem>>) target(%dma_start3A_195 : memref<640xf32, #tpu.memory_space<vmem_shared>>) target_semaphore(%run_scoped3A_193 : memref<!tpu.dma_semaphore, #tpu.memory_space<semaphore_mem>>)
        %dma_wait3A_196 = tpu.memref_slice %arg16[%mul3A_192] : memref<10240xf32, #tpu.memory_space<vmem_shared>> -> memref<640xf32, #tpu.memory_space<vmem_shared>>
        %dma_wait3A_197 = tpu.memref_slice %arg16[%mul3A_192] : memref<10240xf32, #tpu.memory_space<vmem_shared>> -> memref<640xf32, #tpu.memory_space<vmem_shared>>
        tpu.wait_dma2 semaphore(%run_scoped3A_193 : memref<!tpu.dma_semaphore, #tpu.memory_space<semaphore_mem>>) src(%arg14 : memref<640xf32, #tpu.memory_space<vmem>>) dst(%dma_wait3A_197 : memref<640xf32, #tpu.memory_space<vmem_shared>>)
        tpu.yield
      }) : () -> ()
    } else {
    }
    %dma_wait3A = arith.constant 0 : i32
    %dma_wait3A_64 = arith.constant 0 : i32
    %dma_wait3A_65 = arith.constant 0 : i32
    %dma_wait3A_66 = tpu.memref_slice %arg3[%dma_wait3A, %arg1, %dma_wait3A_64, %dma_wait3A_65] : memref<2x16x250x80xi32, #tpu.memory_space<hbm>> -> memref<1x1x250x80xi32, #tpu.memory_space<hbm>>
    %dma_wait3A_67 = tpu.memref_squeeze %dma_wait3A_66 : memref<1x1x250x80xi32, #tpu.memory_space<hbm>> -> memref<250x80xi32, #tpu.memory_space<hbm>>
    %dma_wait3A_68 = arith.constant 0 : i32
    %dma_wait3A_69 = arith.constant 0 : i32
    %dma_wait3A_70 = tpu.memref_slice %arg3[%dma_wait3A, %arg1, %dma_wait3A_68, %dma_wait3A_69] : memref<2x16x250x80xi32, #tpu.memory_space<hbm>> -> memref<1x1x250x80xi32, #tpu.memory_space<hbm>>
    %dma_wait3A_71 = tpu.memref_squeeze %dma_wait3A_70 : memref<1x1x250x80xi32, #tpu.memory_space<hbm>> -> memref<250x80xi32, #tpu.memory_space<hbm>>
    tpu.wait_dma2 semaphore(%arg17 : memref<!tpu.dma_semaphore, #tpu.memory_space<semaphore_mem>>) src(%dma_wait3A_71 : memref<250x80xi32, #tpu.memory_space<hbm>>) dst(%arg6 : memref<250x80xi32, #tpu.memory_space<vmem>>)
    %dma_wait3A_72 = arith.constant 1 : i32
    %dma_wait3A_73 = arith.constant 0 : i32
    %dma_wait3A_74 = arith.constant 0 : i32
    %dma_wait3A_75 = tpu.memref_slice %arg3[%dma_wait3A_72, %arg1, %dma_wait3A_73, %dma_wait3A_74] : memref<2x16x250x80xi32, #tpu.memory_space<hbm>> -> memref<1x1x250x80xi32, #tpu.memory_space<hbm>>
    %dma_wait3A_76 = tpu.memref_squeeze %dma_wait3A_75 : memref<1x1x250x80xi32, #tpu.memory_space<hbm>> -> memref<250x80xi32, #tpu.memory_space<hbm>>
    %dma_wait3A_77 = arith.constant 0 : i32
    %dma_wait3A_78 = arith.constant 0 : i32
    %dma_wait3A_79 = tpu.memref_slice %arg3[%dma_wait3A_72, %arg1, %dma_wait3A_77, %dma_wait3A_78] : memref<2x16x250x80xi32, #tpu.memory_space<hbm>> -> memref<1x1x250x80xi32, #tpu.memory_space<hbm>>
    %dma_wait3A_80 = tpu.memref_squeeze %dma_wait3A_79 : memref<1x1x250x80xi32, #tpu.memory_space<hbm>> -> memref<250x80xi32, #tpu.memory_space<hbm>>
    tpu.wait_dma2 semaphore(%arg18 : memref<!tpu.dma_semaphore, #tpu.memory_space<semaphore_mem>>) src(%dma_wait3A_80 : memref<250x80xi32, #tpu.memory_space<hbm>>) dst(%arg7 : memref<250x80xi32, #tpu.memory_space<vmem>>)
    %barrier3A = arith.constant 0 : index
    tpu.barrier barrier_id(%barrier3A)
    %dma_start3A_81 = arith.constant 0 : i32
    %dma_start3A_82 = arith.constant 0 : i32
    %dma_start3A_83 = tpu.memref_slice %arg6[%dma_start3A_81, %dma_start3A_82] : memref<250x80xi32, #tpu.memory_space<vmem>> -> memref<1x80xi32, #tpu.memory_space<vmem>>
    %dma_start3A_84 = tpu.memref_squeeze %dma_start3A_83 : memref<1x80xi32, #tpu.memory_space<vmem>> -> memref<80xi32, #tpu.memory_space<vmem>>
    %dma_start3A_85 = arith.constant 0 : i32
    %dma_start3A_86 = arith.constant 0 : i32
    %dma_start3A_87 = tpu.memref_slice %arg2[%arg0, %dma_start3A_85, %dma_start3A_86] : memref<2x10000x64xf32, #tpu.memory_space<hbm>> -> memref<1x10000x64xf32, #tpu.memory_space<hbm>>
    %dma_start3A_88 = tpu.memref_squeeze %dma_start3A_87 : memref<1x10000x64xf32, #tpu.memory_space<hbm>> -> memref<10000x64xf32, #tpu.memory_space<hbm>>
    %dma_start3A_89 = arith.constant 0 : i32
    %dma_start3A_90 = arith.constant 0 : i32
    %dma_start3A_91 = tpu.memref_slice %dma_start3A_88[%dma_start3A_89, %dma_start3A_90] : memref<10000x64xf32, #tpu.memory_space<hbm>> -> memref<10000x64xf32, #tpu.memory_space<hbm>>
    tpu.enqueue_indirect_dma source(%dma_start3A_91 : memref<10000x64xf32, #tpu.memory_space<hbm>>) target(%arg8 : memref<80x64xf32, #tpu.memory_space<vmem>>) offsets(%dma_start3A_84 : memref<80xi32, #tpu.memory_space<vmem>>) semaphore(%arg17 : memref<!tpu.dma_semaphore, #tpu.memory_space<semaphore_mem>>)
    %dma_start3A_92 = arith.constant 1 : i32
    %dma_start3A_93 = arith.constant 0 : i32
    %dma_start3A_94 = tpu.memref_slice %arg6[%dma_start3A_92, %dma_start3A_93] : memref<250x80xi32, #tpu.memory_space<vmem>> -> memref<1x80xi32, #tpu.memory_space<vmem>>
    %dma_start3A_95 = tpu.memref_squeeze %dma_start3A_94 : memref<1x80xi32, #tpu.memory_space<vmem>> -> memref<80xi32, #tpu.memory_space<vmem>>
    %dma_start3A_96 = arith.constant 0 : i32
    %dma_start3A_97 = arith.constant 0 : i32
    %dma_start3A_98 = tpu.memref_slice %arg2[%arg0, %dma_start3A_96, %dma_start3A_97] : memref<2x10000x64xf32, #tpu.memory_space<hbm>> -> memref<1x10000x64xf32, #tpu.memory_space<hbm>>
    %dma_start3A_99 = tpu.memref_squeeze %dma_start3A_98 : memref<1x10000x64xf32, #tpu.memory_space<hbm>> -> memref<10000x64xf32, #tpu.memory_space<hbm>>
    %dma_start3A_100 = arith.constant 0 : i32
    %dma_start3A_101 = arith.constant 0 : i32
    %dma_start3A_102 = tpu.memref_slice %dma_start3A_99[%dma_start3A_100, %dma_start3A_101] : memref<10000x64xf32, #tpu.memory_space<hbm>> -> memref<10000x64xf32, #tpu.memory_space<hbm>>
    tpu.enqueue_indirect_dma source(%dma_start3A_102 : memref<10000x64xf32, #tpu.memory_space<hbm>>) target(%arg9 : memref<80x64xf32, #tpu.memory_space<vmem>>) offsets(%dma_start3A_95 : memref<80xi32, #tpu.memory_space<vmem>>) semaphore(%arg18 : memref<!tpu.dma_semaphore, #tpu.memory_space<semaphore_mem>>)
    %dma_start3A_103 = arith.constant 2 : i32
    %dma_start3A_104 = arith.constant 0 : i32
    %dma_start3A_105 = tpu.memref_slice %arg6[%dma_start3A_103, %dma_start3A_104] : memref<250x80xi32, #tpu.memory_space<vmem>> -> memref<1x80xi32, #tpu.memory_space<vmem>>
    %dma_start3A_106 = tpu.memref_squeeze %dma_start3A_105 : memref<1x80xi32, #tpu.memory_space<vmem>> -> memref<80xi32, #tpu.memory_space<vmem>>
    %dma_start3A_107 = arith.constant 0 : i32
    %dma_start3A_108 = arith.constant 0 : i32
    %dma_start3A_109 = tpu.memref_slice %arg2[%arg0, %dma_start3A_107, %dma_start3A_108] : memref<2x10000x64xf32, #tpu.memory_space<hbm>> -> memref<1x10000x64xf32, #tpu.memory_space<hbm>>
    %dma_start3A_110 = tpu.memref_squeeze %dma_start3A_109 : memref<1x10000x64xf32, #tpu.memory_space<hbm>> -> memref<10000x64xf32, #tpu.memory_space<hbm>>
    %dma_start3A_111 = arith.constant 0 : i32
    %dma_start3A_112 = arith.constant 0 : i32
    %dma_start3A_113 = tpu.memref_slice %dma_start3A_110[%dma_start3A_111, %dma_start3A_112] : memref<10000x64xf32, #tpu.memory_space<hbm>> -> memref<10000x64xf32, #tpu.memory_space<hbm>>
    tpu.enqueue_indirect_dma source(%dma_start3A_113 : memref<10000x64xf32, #tpu.memory_space<hbm>>) target(%arg10 : memref<80x64xf32, #tpu.memory_space<vmem>>) offsets(%dma_start3A_106 : memref<80xi32, #tpu.memory_space<vmem>>) semaphore(%arg19 : memref<!tpu.dma_semaphore, #tpu.memory_space<semaphore_mem>>)
    %dma_start3A_114 = arith.constant 3 : i32
    %dma_start3A_115 = arith.constant 0 : i32
    %dma_start3A_116 = tpu.memref_slice %arg6[%dma_start3A_114, %dma_start3A_115] : memref<250x80xi32, #tpu.memory_space<vmem>> -> memref<1x80xi32, #tpu.memory_space<vmem>>
    %dma_start3A_117 = tpu.memref_squeeze %dma_start3A_116 : memref<1x80xi32, #tpu.memory_space<vmem>> -> memref<80xi32, #tpu.memory_space<vmem>>
    %dma_start3A_118 = arith.constant 0 : i32
    %dma_start3A_119 = arith.constant 0 : i32
    %dma_start3A_120 = tpu.memref_slice %arg2[%arg0, %dma_start3A_118, %dma_start3A_119] : memref<2x10000x64xf32, #tpu.memory_space<hbm>> -> memref<1x10000x64xf32, #tpu.memory_space<hbm>>
    %dma_start3A_121 = tpu.memref_squeeze %dma_start3A_120 : memref<1x10000x64xf32, #tpu.memory_space<hbm>> -> memref<10000x64xf32, #tpu.memory_space<hbm>>
    %dma_start3A_122 = arith.constant 0 : i32
    %dma_start3A_123 = arith.constant 0 : i32
    %dma_start3A_124 = tpu.memref_slice %dma_start3A_121[%dma_start3A_122, %dma_start3A_123] : memref<10000x64xf32, #tpu.memory_space<hbm>> -> memref<10000x64xf32, #tpu.memory_space<hbm>>
    tpu.enqueue_indirect_dma source(%dma_start3A_124 : memref<10000x64xf32, #tpu.memory_space<hbm>>) target(%arg11 : memref<80x64xf32, #tpu.memory_space<vmem>>) offsets(%dma_start3A_117 : memref<80xi32, #tpu.memory_space<vmem>>) semaphore(%arg20 : memref<!tpu.dma_semaphore, #tpu.memory_space<semaphore_mem>>)
    %scan3A_125 = arith.constant 0 : i32
    %scan3A_126 = arith.constant 0 : i32
    %scan3A_127 = arith.constant 62 : i32
    %scan3A_128 = arith.addi %scan3A_126, %scan3A_127 : i32
    %scan3A_129 = arith.constant 1 : i32
    scf.for %scan3A_191 = %scan3A_126 to %scan3A_128 step %scan3A_129  : i32 {
      %mul3A_192 = arith.constant 4 : i32
      %mul3A_193 = arith.muli %scan3A_191, %mul3A_192 : i32
      %add3A = arith.constant 0 : i32
      %add3A_194 = arith.addi %mul3A_193, %add3A : i32
      %dma_wait3A_195 = arith.constant 0 : i32
      %dma_wait3A_196 = tpu.memref_slice %arg6[%add3A_194, %dma_wait3A_195] : memref<250x80xi32, #tpu.memory_space<vmem>> -> memref<1x80xi32, #tpu.memory_space<vmem>>
      %dma_wait3A_197 = tpu.memref_squeeze %dma_wait3A_196 : memref<1x80xi32, #tpu.memory_space<vmem>> -> memref<80xi32, #tpu.memory_space<vmem>>
      %dma_wait3A_198 = arith.constant 0 : i32
      %dma_wait3A_199 = arith.constant 0 : i32
      %dma_wait3A_200 = tpu.memref_slice %arg2[%arg0, %dma_wait3A_198, %dma_wait3A_199] : memref<2x10000x64xf32, #tpu.memory_space<hbm>> -> memref<1x10000x64xf32, #tpu.memory_space<hbm>>
      %dma_wait3A_201 = tpu.memref_squeeze %dma_wait3A_200 : memref<1x10000x64xf32, #tpu.memory_space<hbm>> -> memref<10000x64xf32, #tpu.memory_space<hbm>>
      %dma_wait3A_202 = arith.constant 0 : i32
      %dma_wait3A_203 = arith.constant 0 : i32
      %dma_wait3A_204 = tpu.memref_slice %dma_wait3A_201[%dma_wait3A_202, %dma_wait3A_203] : memref<10000x64xf32, #tpu.memory_space<hbm>> -> memref<10000x64xf32, #tpu.memory_space<hbm>>
      tpu.wait_indirect_dma semaphore(%arg17 : memref<!tpu.dma_semaphore, #tpu.memory_space<semaphore_mem>>) src(%dma_wait3A_204 : memref<10000x64xf32, #tpu.memory_space<hbm>>) dst(%arg8 : memref<80x64xf32, #tpu.memory_space<vmem>>)
      "tpu.region"() ({
        %run_scoped3A_325 = tpu.sem_alloc : memref<!tpu.dma_semaphore, #tpu.memory_space<semaphore_mem>>
        %dma_start3A_326 = arith.constant 0 : i32
        %dma_start3A_327 = tpu.memref_slice %arg7[%add3A_194, %dma_start3A_326] : memref<250x80xi32, #tpu.memory_space<vmem>> -> memref<1x80xi32, #tpu.memory_space<vmem>>
        %dma_start3A_328 = tpu.memref_squeeze %dma_start3A_327 : memref<1x80xi32, #tpu.memory_space<vmem>> -> memref<80xi32, #tpu.memory_space<vmem>>
        %dma_start3A_329 = arith.constant 0 : i32
        %dma_start3A_330 = arith.constant 0 : i32
        %dma_start3A_331 = tpu.memref_slice %arg15[%dma_start3A_329, %dma_start3A_330] : memref<10240x64xf32, #tpu.memory_space<vmem_shared>> -> memref<10240x64xf32, #tpu.memory_space<vmem_shared>>
        tpu.enqueue_indirect_dma source(%arg8 : memref<80x64xf32, #tpu.memory_space<vmem>>) target(%dma_start3A_331 : memref<10240x64xf32, #tpu.memory_space<vmem_shared>>) offsets(%dma_start3A_328 : memref<80xi32, #tpu.memory_space<vmem>>) semaphore(%run_scoped3A_325 : memref<!tpu.dma_semaphore, #tpu.memory_space<semaphore_mem>>) {add = true}
        %dma_wait3A_332 = arith.constant 0 : i32
        %dma_wait3A_333 = tpu.memref_slice %arg7[%add3A_194, %dma_wait3A_332] : memref<250x80xi32, #tpu.memory_space<vmem>> -> memref<1x80xi32, #tpu.memory_space<vmem>>
        %dma_wait3A_334 = tpu.memref_squeeze %dma_wait3A_333 : memref<1x80xi32, #tpu.memory_space<vmem>> -> memref<80xi32, #tpu.memory_space<vmem>>
        %dma_wait3A_335 = arith.constant 0 : i32
        %dma_wait3A_336 = arith.constant 0 : i32
        %dma_wait3A_337 = tpu.memref_slice %arg15[%dma_wait3A_335, %dma_wait3A_336] : memref<10240x64xf32, #tpu.memory_space<vmem_shared>> -> memref<10240x64xf32, #tpu.memory_space<vmem_shared>>
        tpu.wait_indirect_dma semaphore(%run_scoped3A_325 : memref<!tpu.dma_semaphore, #tpu.memory_space<semaphore_mem>>) src(%arg8 : memref<80x64xf32, #tpu.memory_space<vmem>>) dst(%dma_wait3A_337 : memref<10240x64xf32, #tpu.memory_space<vmem_shared>>)
        tpu.yield
      }) : () -> ()
      %eq3A_205 = arith.constant 0 : i32
      %eq3A_206 = arith.cmpi eq, %arg0, %eq3A_205 : i32
      %convert_element_type3A_207 = arith.extui %eq3A_206 : i1 to i32
      %cond3A_208 = arith.constant 0 : i32
      %cond3A_209 = arith.cmpi ne, %convert_element_type3A_207, %cond3A_208 : i32
      scf.if %cond3A_209 {
        %dma_start3A_325 = arith.constant 0 : i32
        %dma_start3A_326 = tpu.memref_slice %arg7[%add3A_194, %dma_start3A_325] : memref<250x80xi32, #tpu.memory_space<vmem>> -> memref<1x80xi32, #tpu.memory_space<vmem>>
        %dma_start3A_327 = tpu.memref_squeeze %dma_start3A_326 : memref<1x80xi32, #tpu.memory_space<vmem>> -> memref<80xi32, #tpu.memory_space<vmem>>
        %dma_start3A_328 = arith.constant 0 : i32
        %dma_start3A_329 = tpu.memref_slice %arg16[%dma_start3A_328] : memref<10240xf32, #tpu.memory_space<vmem_shared>> -> memref<10240xf32, #tpu.memory_space<vmem_shared>>
        tpu.enqueue_indirect_dma source(%arg13 : memref<80xf32, #tpu.memory_space<vmem>>) target(%dma_start3A_329 : memref<10240xf32, #tpu.memory_space<vmem_shared>>) offsets(%dma_start3A_327 : memref<80xi32, #tpu.memory_space<vmem>>) semaphore(%arg21 : memref<!tpu.dma_semaphore, #tpu.memory_space<semaphore_mem>>) {add = true}
      } else {
      }
      %eq3A_210 = arith.constant 0 : i32
      %eq3A_211 = arith.cmpi eq, %arg0, %eq3A_210 : i32
      %ge3A = arith.constant 4 : i32
      %ge3A_212 = arith.cmpi sge, %add3A_194, %ge3A : i32
      %and3A_213 = arith.andi %eq3A_211, %ge3A_212 : i1
      %convert_element_type3A_214 = arith.extui %and3A_213 : i1 to i32
      %cond3A_215 = arith.constant 0 : i32
      %cond3A_216 = arith.cmpi ne, %convert_element_type3A_214, %cond3A_215 : i32
      scf.if %cond3A_216 {
        %dma_wait3A_325 = arith.constant 0 : i32
        %dma_wait3A_326 = tpu.memref_slice %arg7[%add3A_194, %dma_wait3A_325] : memref<250x80xi32, #tpu.memory_space<vmem>> -> memref<1x80xi32, #tpu.memory_space<vmem>>
        %dma_wait3A_327 = tpu.memref_squeeze %dma_wait3A_326 : memref<1x80xi32, #tpu.memory_space<vmem>> -> memref<80xi32, #tpu.memory_space<vmem>>
        %dma_wait3A_328 = arith.constant 0 : i32
        %dma_wait3A_329 = tpu.memref_slice %arg16[%dma_wait3A_328] : memref<10240xf32, #tpu.memory_space<vmem_shared>> -> memref<10240xf32, #tpu.memory_space<vmem_shared>>
        tpu.wait_indirect_dma semaphore(%arg21 : memref<!tpu.dma_semaphore, #tpu.memory_space<semaphore_mem>>) src(%arg13 : memref<80xf32, #tpu.memory_space<vmem>>) dst(%dma_wait3A_329 : memref<10240xf32, #tpu.memory_space<vmem_shared>>)
      } else {
      }
      %add3A_217 = arith.constant 4 : i32
      %add3A_218 = arith.addi %add3A_194, %add3A_217 : i32
      %lt3A = arith.constant 250 : i32
      %lt3A_219 = arith.cmpi slt, %add3A_218, %lt3A : i32
      %convert_element_type3A_220 = arith.extui %lt3A_219 : i1 to i32
      %cond3A_221 = arith.constant 0 : i32
      %cond3A_222 = arith.cmpi ne, %convert_element_type3A_220, %cond3A_221 : i32
      scf.if %cond3A_222 {
        %add3A_325 = arith.constant 4 : i32
        %add3A_326 = arith.addi %add3A_194, %add3A_325 : i32
        %dma_start3A_327 = arith.constant 0 : i32
        %dma_start3A_328 = tpu.memref_slice %arg6[%add3A_326, %dma_start3A_327] : memref<250x80xi32, #tpu.memory_space<vmem>> -> memref<1x80xi32, #tpu.memory_space<vmem>>
        %dma_start3A_329 = tpu.memref_squeeze %dma_start3A_328 : memref<1x80xi32, #tpu.memory_space<vmem>> -> memref<80xi32, #tpu.memory_space<vmem>>
        %dma_start3A_330 = arith.constant 0 : i32
        %dma_start3A_331 = arith.constant 0 : i32
        %dma_start3A_332 = tpu.memref_slice %arg2[%arg0, %dma_start3A_330, %dma_start3A_331] : memref<2x10000x64xf32, #tpu.memory_space<hbm>> -> memref<1x10000x64xf32, #tpu.memory_space<hbm>>
        %dma_start3A_333 = tpu.memref_squeeze %dma_start3A_332 : memref<1x10000x64xf32, #tpu.memory_space<hbm>> -> memref<10000x64xf32, #tpu.memory_space<hbm>>
        %dma_start3A_334 = arith.constant 0 : i32
        %dma_start3A_335 = arith.constant 0 : i32
        %dma_start3A_336 = tpu.memref_slice %dma_start3A_333[%dma_start3A_334, %dma_start3A_335] : memref<10000x64xf32, #tpu.memory_space<hbm>> -> memref<10000x64xf32, #tpu.memory_space<hbm>>
        tpu.enqueue_indirect_dma source(%dma_start3A_336 : memref<10000x64xf32, #tpu.memory_space<hbm>>) target(%arg8 : memref<80x64xf32, #tpu.memory_space<vmem>>) offsets(%dma_start3A_329 : memref<80xi32, #tpu.memory_space<vmem>>) semaphore(%arg17 : memref<!tpu.dma_semaphore, #tpu.memory_space<semaphore_mem>>)
      } else {
      }
      %mul3A_223 = arith.constant 4 : i32
      %mul3A_224 = arith.muli %scan3A_191, %mul3A_223 : i32
      %add3A_225 = arith.constant 1 : i32
      %add3A_226 = arith.addi %mul3A_224, %add3A_225 : i32
      %dma_wait3A_227 = arith.constant 0 : i32
      %dma_wait3A_228 = tpu.memref_slice %arg6[%add3A_226, %dma_wait3A_227] : memref<250x80xi32, #tpu.memory_space<vmem>> -> memref<1x80xi32, #tpu.memory_space<vmem>>
      %dma_wait3A_229 = tpu.memref_squeeze %dma_wait3A_228 : memref<1x80xi32, #tpu.memory_space<vmem>> -> memref<80xi32, #tpu.memory_space<vmem>>
      %dma_wait3A_230 = arith.constant 0 : i32
      %dma_wait3A_231 = arith.constant 0 : i32
      %dma_wait3A_232 = tpu.memref_slice %arg2[%arg0, %dma_wait3A_230, %dma_wait3A_231] : memref<2x10000x64xf32, #tpu.memory_space<hbm>> -> memref<1x10000x64xf32, #tpu.memory_space<hbm>>
      %dma_wait3A_233 = tpu.memref_squeeze %dma_wait3A_232 : memref<1x10000x64xf32, #tpu.memory_space<hbm>> -> memref<10000x64xf32, #tpu.memory_space<hbm>>
      %dma_wait3A_234 = arith.constant 0 : i32
      %dma_wait3A_235 = arith.constant 0 : i32
      %dma_wait3A_236 = tpu.memref_slice %dma_wait3A_233[%dma_wait3A_234, %dma_wait3A_235] : memref<10000x64xf32, #tpu.memory_space<hbm>> -> memref<10000x64xf32, #tpu.memory_space<hbm>>
      tpu.wait_indirect_dma semaphore(%arg18 : memref<!tpu.dma_semaphore, #tpu.memory_space<semaphore_mem>>) src(%dma_wait3A_236 : memref<10000x64xf32, #tpu.memory_space<hbm>>) dst(%arg9 : memref<80x64xf32, #tpu.memory_space<vmem>>)
      "tpu.region"() ({
        %run_scoped3A_325 = tpu.sem_alloc : memref<!tpu.dma_semaphore, #tpu.memory_space<semaphore_mem>>
        %dma_start3A_326 = arith.constant 0 : i32
        %dma_start3A_327 = tpu.memref_slice %arg7[%add3A_226, %dma_start3A_326] : memref<250x80xi32, #tpu.memory_space<vmem>> -> memref<1x80xi32, #tpu.memory_space<vmem>>
        %dma_start3A_328 = tpu.memref_squeeze %dma_start3A_327 : memref<1x80xi32, #tpu.memory_space<vmem>> -> memref<80xi32, #tpu.memory_space<vmem>>
        %dma_start3A_329 = arith.constant 0 : i32
        %dma_start3A_330 = arith.constant 0 : i32
        %dma_start3A_331 = tpu.memref_slice %arg15[%dma_start3A_329, %dma_start3A_330] : memref<10240x64xf32, #tpu.memory_space<vmem_shared>> -> memref<10240x64xf32, #tpu.memory_space<vmem_shared>>
        tpu.enqueue_indirect_dma source(%arg9 : memref<80x64xf32, #tpu.memory_space<vmem>>) target(%dma_start3A_331 : memref<10240x64xf32, #tpu.memory_space<vmem_shared>>) offsets(%dma_start3A_328 : memref<80xi32, #tpu.memory_space<vmem>>) semaphore(%run_scoped3A_325 : memref<!tpu.dma_semaphore, #tpu.memory_space<semaphore_mem>>) {add = true}
        %dma_wait3A_332 = arith.constant 0 : i32
        %dma_wait3A_333 = tpu.memref_slice %arg7[%add3A_226, %dma_wait3A_332] : memref<250x80xi32, #tpu.memory_space<vmem>> -> memref<1x80xi32, #tpu.memory_space<vmem>>
        %dma_wait3A_334 = tpu.memref_squeeze %dma_wait3A_333 : memref<1x80xi32, #tpu.memory_space<vmem>> -> memref<80xi32, #tpu.memory_space<vmem>>
        %dma_wait3A_335 = arith.constant 0 : i32
        %dma_wait3A_336 = arith.constant 0 : i32
        %dma_wait3A_337 = tpu.memref_slice %arg15[%dma_wait3A_335, %dma_wait3A_336] : memref<10240x64xf32, #tpu.memory_space<vmem_shared>> -> memref<10240x64xf32, #tpu.memory_space<vmem_shared>>
        tpu.wait_indirect_dma semaphore(%run_scoped3A_325 : memref<!tpu.dma_semaphore, #tpu.memory_space<semaphore_mem>>) src(%arg9 : memref<80x64xf32, #tpu.memory_space<vmem>>) dst(%dma_wait3A_337 : memref<10240x64xf32, #tpu.memory_space<vmem_shared>>)
        tpu.yield
      }) : () -> ()
      %eq3A_237 = arith.constant 0 : i32
      %eq3A_238 = arith.cmpi eq, %arg0, %eq3A_237 : i32
      %convert_element_type3A_239 = arith.extui %eq3A_238 : i1 to i32
      %cond3A_240 = arith.constant 0 : i32
      %cond3A_241 = arith.cmpi ne, %convert_element_type3A_239, %cond3A_240 : i32
      scf.if %cond3A_241 {
        %dma_start3A_325 = arith.constant 0 : i32
        %dma_start3A_326 = tpu.memref_slice %arg7[%add3A_226, %dma_start3A_325] : memref<250x80xi32, #tpu.memory_space<vmem>> -> memref<1x80xi32, #tpu.memory_space<vmem>>
        %dma_start3A_327 = tpu.memref_squeeze %dma_start3A_326 : memref<1x80xi32, #tpu.memory_space<vmem>> -> memref<80xi32, #tpu.memory_space<vmem>>
        %dma_start3A_328 = arith.constant 0 : i32
        %dma_start3A_329 = tpu.memref_slice %arg16[%dma_start3A_328] : memref<10240xf32, #tpu.memory_space<vmem_shared>> -> memref<10240xf32, #tpu.memory_space<vmem_shared>>
        tpu.enqueue_indirect_dma source(%arg13 : memref<80xf32, #tpu.memory_space<vmem>>) target(%dma_start3A_329 : memref<10240xf32, #tpu.memory_space<vmem_shared>>) offsets(%dma_start3A_327 : memref<80xi32, #tpu.memory_space<vmem>>) semaphore(%arg21 : memref<!tpu.dma_semaphore, #tpu.memory_space<semaphore_mem>>) {add = true}
      } else {
      }
      %eq3A_242 = arith.constant 0 : i32
      %eq3A_243 = arith.cmpi eq, %arg0, %eq3A_242 : i32
      %ge3A_244 = arith.constant 4 : i32
      %ge3A_245 = arith.cmpi sge, %add3A_226, %ge3A_244 : i32
      %and3A_246 = arith.andi %eq3A_243, %ge3A_245 : i1
      %convert_element_type3A_247 = arith.extui %and3A_246 : i1 to i32
      %cond3A_248 = arith.constant 0 : i32
      %cond3A_249 = arith.cmpi ne, %convert_element_type3A_247, %cond3A_248 : i32
      scf.if %cond3A_249 {
        %dma_wait3A_325 = arith.constant 0 : i32
        %dma_wait3A_326 = tpu.memref_slice %arg7[%add3A_226, %dma_wait3A_325] : memref<250x80xi32, #tpu.memory_space<vmem>> -> memref<1x80xi32, #tpu.memory_space<vmem>>
        %dma_wait3A_327 = tpu.memref_squeeze %dma_wait3A_326 : memref<1x80xi32, #tpu.memory_space<vmem>> -> memref<80xi32, #tpu.memory_space<vmem>>
        %dma_wait3A_328 = arith.constant 0 : i32
        %dma_wait3A_329 = tpu.memref_slice %arg16[%dma_wait3A_328] : memref<10240xf32, #tpu.memory_space<vmem_shared>> -> memref<10240xf32, #tpu.memory_space<vmem_shared>>
        tpu.wait_indirect_dma semaphore(%arg21 : memref<!tpu.dma_semaphore, #tpu.memory_space<semaphore_mem>>) src(%arg13 : memref<80xf32, #tpu.memory_space<vmem>>) dst(%dma_wait3A_329 : memref<10240xf32, #tpu.memory_space<vmem_shared>>)
      } else {
      }
      %add3A_250 = arith.constant 4 : i32
      %add3A_251 = arith.addi %add3A_226, %add3A_250 : i32
      %lt3A_252 = arith.constant 250 : i32
      %lt3A_253 = arith.cmpi slt, %add3A_251, %lt3A_252 : i32
      %convert_element_type3A_254 = arith.extui %lt3A_253 : i1 to i32
      %cond3A_255 = arith.constant 0 : i32
      %cond3A_256 = arith.cmpi ne, %convert_element_type3A_254, %cond3A_255 : i32
      scf.if %cond3A_256 {
        %add3A_325 = arith.constant 4 : i32
        %add3A_326 = arith.addi %add3A_226, %add3A_325 : i32
        %dma_start3A_327 = arith.constant 0 : i32
        %dma_start3A_328 = tpu.memref_slice %arg6[%add3A_326, %dma_start3A_327] : memref<250x80xi32, #tpu.memory_space<vmem>> -> memref<1x80xi32, #tpu.memory_space<vmem>>
        %dma_start3A_329 = tpu.memref_squeeze %dma_start3A_328 : memref<1x80xi32, #tpu.memory_space<vmem>> -> memref<80xi32, #tpu.memory_space<vmem>>
        %dma_start3A_330 = arith.constant 0 : i32
        %dma_start3A_331 = arith.constant 0 : i32
        %dma_start3A_332 = tpu.memref_slice %arg2[%arg0, %dma_start3A_330, %dma_start3A_331] : memref<2x10000x64xf32, #tpu.memory_space<hbm>> -> memref<1x10000x64xf32, #tpu.memory_space<hbm>>
        %dma_start3A_333 = tpu.memref_squeeze %dma_start3A_332 : memref<1x10000x64xf32, #tpu.memory_space<hbm>> -> memref<10000x64xf32, #tpu.memory_space<hbm>>
        %dma_start3A_334 = arith.constant 0 : i32
        %dma_start3A_335 = arith.constant 0 : i32
        %dma_start3A_336 = tpu.memref_slice %dma_start3A_333[%dma_start3A_334, %dma_start3A_335] : memref<10000x64xf32, #tpu.memory_space<hbm>> -> memref<10000x64xf32, #tpu.memory_space<hbm>>
        tpu.enqueue_indirect_dma source(%dma_start3A_336 : memref<10000x64xf32, #tpu.memory_space<hbm>>) target(%arg9 : memref<80x64xf32, #tpu.memory_space<vmem>>) offsets(%dma_start3A_329 : memref<80xi32, #tpu.memory_space<vmem>>) semaphore(%arg18 : memref<!tpu.dma_semaphore, #tpu.memory_space<semaphore_mem>>)
      } else {
      }
      %mul3A_257 = arith.constant 4 : i32
      %mul3A_258 = arith.muli %scan3A_191, %mul3A_257 : i32
      %add3A_259 = arith.constant 2 : i32
      %add3A_260 = arith.addi %mul3A_258, %add3A_259 : i32
      %dma_wait3A_261 = arith.constant 0 : i32
      %dma_wait3A_262 = tpu.memref_slice %arg6[%add3A_260, %dma_wait3A_261] : memref<250x80xi32, #tpu.memory_space<vmem>> -> memref<1x80xi32, #tpu.memory_space<vmem>>
      %dma_wait3A_263 = tpu.memref_squeeze %dma_wait3A_262 : memref<1x80xi32, #tpu.memory_space<vmem>> -> memref<80xi32, #tpu.memory_space<vmem>>
      %dma_wait3A_264 = arith.constant 0 : i32
      %dma_wait3A_265 = arith.constant 0 : i32
      %dma_wait3A_266 = tpu.memref_slice %arg2[%arg0, %dma_wait3A_264, %dma_wait3A_265] : memref<2x10000x64xf32, #tpu.memory_space<hbm>> -> memref<1x10000x64xf32, #tpu.memory_space<hbm>>
      %dma_wait3A_267 = tpu.memref_squeeze %dma_wait3A_266 : memref<1x10000x64xf32, #tpu.memory_space<hbm>> -> memref<10000x64xf32, #tpu.memory_space<hbm>>
      %dma_wait3A_268 = arith.constant 0 : i32
      %dma_wait3A_269 = arith.constant 0 : i32
      %dma_wait3A_270 = tpu.memref_slice %dma_wait3A_267[%dma_wait3A_268, %dma_wait3A_269] : memref<10000x64xf32, #tpu.memory_space<hbm>> -> memref<10000x64xf32, #tpu.memory_space<hbm>>
      tpu.wait_indirect_dma semaphore(%arg19 : memref<!tpu.dma_semaphore, #tpu.memory_space<semaphore_mem>>) src(%dma_wait3A_270 : memref<10000x64xf32, #tpu.memory_space<hbm>>) dst(%arg10 : memref<80x64xf32, #tpu.memory_space<vmem>>)
      "tpu.region"() ({
        %run_scoped3A_325 = tpu.sem_alloc : memref<!tpu.dma_semaphore, #tpu.memory_space<semaphore_mem>>
        %dma_start3A_326 = arith.constant 0 : i32
        %dma_start3A_327 = tpu.memref_slice %arg7[%add3A_260, %dma_start3A_326] : memref<250x80xi32, #tpu.memory_space<vmem>> -> memref<1x80xi32, #tpu.memory_space<vmem>>
        %dma_start3A_328 = tpu.memref_squeeze %dma_start3A_327 : memref<1x80xi32, #tpu.memory_space<vmem>> -> memref<80xi32, #tpu.memory_space<vmem>>
        %dma_start3A_329 = arith.constant 0 : i32
        %dma_start3A_330 = arith.constant 0 : i32
        %dma_start3A_331 = tpu.memref_slice %arg15[%dma_start3A_329, %dma_start3A_330] : memref<10240x64xf32, #tpu.memory_space<vmem_shared>> -> memref<10240x64xf32, #tpu.memory_space<vmem_shared>>
        tpu.enqueue_indirect_dma source(%arg10 : memref<80x64xf32, #tpu.memory_space<vmem>>) target(%dma_start3A_331 : memref<10240x64xf32, #tpu.memory_space<vmem_shared>>) offsets(%dma_start3A_328 : memref<80xi32, #tpu.memory_space<vmem>>) semaphore(%run_scoped3A_325 : memref<!tpu.dma_semaphore, #tpu.memory_space<semaphore_mem>>) {add = true}
        %dma_wait3A_332 = arith.constant 0 : i32
        %dma_wait3A_333 = tpu.memref_slice %arg7[%add3A_260, %dma_wait3A_332] : memref<250x80xi32, #tpu.memory_space<vmem>> -> memref<1x80xi32, #tpu.memory_space<vmem>>
        %dma_wait3A_334 = tpu.memref_squeeze %dma_wait3A_333 : memref<1x80xi32, #tpu.memory_space<vmem>> -> memref<80xi32, #tpu.memory_space<vmem>>
        %dma_wait3A_335 = arith.constant 0 : i32
        %dma_wait3A_336 = arith.constant 0 : i32
        %dma_wait3A_337 = tpu.memref_slice %arg15[%dma_wait3A_335, %dma_wait3A_336] : memref<10240x64xf32, #tpu.memory_space<vmem_shared>> -> memref<10240x64xf32, #tpu.memory_space<vmem_shared>>
        tpu.wait_indirect_dma semaphore(%run_scoped3A_325 : memref<!tpu.dma_semaphore, #tpu.memory_space<semaphore_mem>>) src(%arg10 : memref<80x64xf32, #tpu.memory_space<vmem>>) dst(%dma_wait3A_337 : memref<10240x64xf32, #tpu.memory_space<vmem_shared>>)
        tpu.yield
      }) : () -> ()
      %eq3A_271 = arith.constant 0 : i32
      %eq3A_272 = arith.cmpi eq, %arg0, %eq3A_271 : i32
      %convert_element_type3A_273 = arith.extui %eq3A_272 : i1 to i32
      %cond3A_274 = arith.constant 0 : i32
      %cond3A_275 = arith.cmpi ne, %convert_element_type3A_273, %cond3A_274 : i32
      scf.if %cond3A_275 {
        %dma_start3A_325 = arith.constant 0 : i32
        %dma_start3A_326 = tpu.memref_slice %arg7[%add3A_260, %dma_start3A_325] : memref<250x80xi32, #tpu.memory_space<vmem>> -> memref<1x80xi32, #tpu.memory_space<vmem>>
        %dma_start3A_327 = tpu.memref_squeeze %dma_start3A_326 : memref<1x80xi32, #tpu.memory_space<vmem>> -> memref<80xi32, #tpu.memory_space<vmem>>
        %dma_start3A_328 = arith.constant 0 : i32
        %dma_start3A_329 = tpu.memref_slice %arg16[%dma_start3A_328] : memref<10240xf32, #tpu.memory_space<vmem_shared>> -> memref<10240xf32, #tpu.memory_space<vmem_shared>>
        tpu.enqueue_indirect_dma source(%arg13 : memref<80xf32, #tpu.memory_space<vmem>>) target(%dma_start3A_329 : memref<10240xf32, #tpu.memory_space<vmem_shared>>) offsets(%dma_start3A_327 : memref<80xi32, #tpu.memory_space<vmem>>) semaphore(%arg21 : memref<!tpu.dma_semaphore, #tpu.memory_space<semaphore_mem>>) {add = true}
      } else {
      }
      %eq3A_276 = arith.constant 0 : i32
      %eq3A_277 = arith.cmpi eq, %arg0, %eq3A_276 : i32
      %ge3A_278 = arith.constant 4 : i32
      %ge3A_279 = arith.cmpi sge, %add3A_260, %ge3A_278 : i32
      %and3A_280 = arith.andi %eq3A_277, %ge3A_279 : i1
      %convert_element_type3A_281 = arith.extui %and3A_280 : i1 to i32
      %cond3A_282 = arith.constant 0 : i32
      %cond3A_283 = arith.cmpi ne, %convert_element_type3A_281, %cond3A_282 : i32
      scf.if %cond3A_283 {
        %dma_wait3A_325 = arith.constant 0 : i32
        %dma_wait3A_326 = tpu.memref_slice %arg7[%add3A_260, %dma_wait3A_325] : memref<250x80xi32, #tpu.memory_space<vmem>> -> memref<1x80xi32, #tpu.memory_space<vmem>>
        %dma_wait3A_327 = tpu.memref_squeeze %dma_wait3A_326 : memref<1x80xi32, #tpu.memory_space<vmem>> -> memref<80xi32, #tpu.memory_space<vmem>>
        %dma_wait3A_328 = arith.constant 0 : i32
        %dma_wait3A_329 = tpu.memref_slice %arg16[%dma_wait3A_328] : memref<10240xf32, #tpu.memory_space<vmem_shared>> -> memref<10240xf32, #tpu.memory_space<vmem_shared>>
        tpu.wait_indirect_dma semaphore(%arg21 : memref<!tpu.dma_semaphore, #tpu.memory_space<semaphore_mem>>) src(%arg13 : memref<80xf32, #tpu.memory_space<vmem>>) dst(%dma_wait3A_329 : memref<10240xf32, #tpu.memory_space<vmem_shared>>)
      } else {
      }
      %add3A_284 = arith.constant 4 : i32
      %add3A_285 = arith.addi %add3A_260, %add3A_284 : i32
      %lt3A_286 = arith.constant 250 : i32
      %lt3A_287 = arith.cmpi slt, %add3A_285, %lt3A_286 : i32
      %convert_element_type3A_288 = arith.extui %lt3A_287 : i1 to i32
      %cond3A_289 = arith.constant 0 : i32
      %cond3A_290 = arith.cmpi ne, %convert_element_type3A_288, %cond3A_289 : i32
      scf.if %cond3A_290 {
        %add3A_325 = arith.constant 4 : i32
        %add3A_326 = arith.addi %add3A_260, %add3A_325 : i32
        %dma_start3A_327 = arith.constant 0 : i32
        %dma_start3A_328 = tpu.memref_slice %arg6[%add3A_326, %dma_start3A_327] : memref<250x80xi32, #tpu.memory_space<vmem>> -> memref<1x80xi32, #tpu.memory_space<vmem>>
        %dma_start3A_329 = tpu.memref_squeeze %dma_start3A_328 : memref<1x80xi32, #tpu.memory_space<vmem>> -> memref<80xi32, #tpu.memory_space<vmem>>
        %dma_start3A_330 = arith.constant 0 : i32
        %dma_start3A_331 = arith.constant 0 : i32
        %dma_start3A_332 = tpu.memref_slice %arg2[%arg0, %dma_start3A_330, %dma_start3A_331] : memref<2x10000x64xf32, #tpu.memory_space<hbm>> -> memref<1x10000x64xf32, #tpu.memory_space<hbm>>
        %dma_start3A_333 = tpu.memref_squeeze %dma_start3A_332 : memref<1x10000x64xf32, #tpu.memory_space<hbm>> -> memref<10000x64xf32, #tpu.memory_space<hbm>>
        %dma_start3A_334 = arith.constant 0 : i32
        %dma_start3A_335 = arith.constant 0 : i32
        %dma_start3A_336 = tpu.memref_slice %dma_start3A_333[%dma_start3A_334, %dma_start3A_335] : memref<10000x64xf32, #tpu.memory_space<hbm>> -> memref<10000x64xf32, #tpu.memory_space<hbm>>
        tpu.enqueue_indirect_dma source(%dma_start3A_336 : memref<10000x64xf32, #tpu.memory_space<hbm>>) target(%arg10 : memref<80x64xf32, #tpu.memory_space<vmem>>) offsets(%dma_start3A_329 : memref<80xi32, #tpu.memory_space<vmem>>) semaphore(%arg19 : memref<!tpu.dma_semaphore, #tpu.memory_space<semaphore_mem>>)
      } else {
      }
      %mul3A_291 = arith.constant 4 : i32
      %mul3A_292 = arith.muli %scan3A_191, %mul3A_291 : i32
      %add3A_293 = arith.constant 3 : i32
      %add3A_294 = arith.addi %mul3A_292, %add3A_293 : i32
      %dma_wait3A_295 = arith.constant 0 : i32
      %dma_wait3A_296 = tpu.memref_slice %arg6[%add3A_294, %dma_wait3A_295] : memref<250x80xi32, #tpu.memory_space<vmem>> -> memref<1x80xi32, #tpu.memory_space<vmem>>
      %dma_wait3A_297 = tpu.memref_squeeze %dma_wait3A_296 : memref<1x80xi32, #tpu.memory_space<vmem>> -> memref<80xi32, #tpu.memory_space<vmem>>
      %dma_wait3A_298 = arith.constant 0 : i32
      %dma_wait3A_299 = arith.constant 0 : i32
      %dma_wait3A_300 = tpu.memref_slice %arg2[%arg0, %dma_wait3A_298, %dma_wait3A_299] : memref<2x10000x64xf32, #tpu.memory_space<hbm>> -> memref<1x10000x64xf32, #tpu.memory_space<hbm>>
      %dma_wait3A_301 = tpu.memref_squeeze %dma_wait3A_300 : memref<1x10000x64xf32, #tpu.memory_space<hbm>> -> memref<10000x64xf32, #tpu.memory_space<hbm>>
      %dma_wait3A_302 = arith.constant 0 : i32
      %dma_wait3A_303 = arith.constant 0 : i32
      %dma_wait3A_304 = tpu.memref_slice %dma_wait3A_301[%dma_wait3A_302, %dma_wait3A_303] : memref<10000x64xf32, #tpu.memory_space<hbm>> -> memref<10000x64xf32, #tpu.memory_space<hbm>>
      tpu.wait_indirect_dma semaphore(%arg20 : memref<!tpu.dma_semaphore, #tpu.memory_space<semaphore_mem>>) src(%dma_wait3A_304 : memref<10000x64xf32, #tpu.memory_space<hbm>>) dst(%arg11 : memref<80x64xf32, #tpu.memory_space<vmem>>)
      "tpu.region"() ({
        %run_scoped3A_325 = tpu.sem_alloc : memref<!tpu.dma_semaphore, #tpu.memory_space<semaphore_mem>>
        %dma_start3A_326 = arith.constant 0 : i32
        %dma_start3A_327 = tpu.memref_slice %arg7[%add3A_294, %dma_start3A_326] : memref<250x80xi32, #tpu.memory_space<vmem>> -> memref<1x80xi32, #tpu.memory_space<vmem>>
        %dma_start3A_328 = tpu.memref_squeeze %dma_start3A_327 : memref<1x80xi32, #tpu.memory_space<vmem>> -> memref<80xi32, #tpu.memory_space<vmem>>
        %dma_start3A_329 = arith.constant 0 : i32
        %dma_start3A_330 = arith.constant 0 : i32
        %dma_start3A_331 = tpu.memref_slice %arg15[%dma_start3A_329, %dma_start3A_330] : memref<10240x64xf32, #tpu.memory_space<vmem_shared>> -> memref<10240x64xf32, #tpu.memory_space<vmem_shared>>
        tpu.enqueue_indirect_dma source(%arg11 : memref<80x64xf32, #tpu.memory_space<vmem>>) target(%dma_start3A_331 : memref<10240x64xf32, #tpu.memory_space<vmem_shared>>) offsets(%dma_start3A_328 : memref<80xi32, #tpu.memory_space<vmem>>) semaphore(%run_scoped3A_325 : memref<!tpu.dma_semaphore, #tpu.memory_space<semaphore_mem>>) {add = true}
        %dma_wait3A_332 = arith.constant 0 : i32
        %dma_wait3A_333 = tpu.memref_slice %arg7[%add3A_294, %dma_wait3A_332] : memref<250x80xi32, #tpu.memory_space<vmem>> -> memref<1x80xi32, #tpu.memory_space<vmem>>
        %dma_wait3A_334 = tpu.memref_squeeze %dma_wait3A_333 : memref<1x80xi32, #tpu.memory_space<vmem>> -> memref<80xi32, #tpu.memory_space<vmem>>
        %dma_wait3A_335 = arith.constant 0 : i32
        %dma_wait3A_336 = arith.constant 0 : i32
        %dma_wait3A_337 = tpu.memref_slice %arg15[%dma_wait3A_335, %dma_wait3A_336] : memref<10240x64xf32, #tpu.memory_space<vmem_shared>> -> memref<10240x64xf32, #tpu.memory_space<vmem_shared>>
        tpu.wait_indirect_dma semaphore(%run_scoped3A_325 : memref<!tpu.dma_semaphore, #tpu.memory_space<semaphore_mem>>) src(%arg11 : memref<80x64xf32, #tpu.memory_space<vmem>>) dst(%dma_wait3A_337 : memref<10240x64xf32, #tpu.memory_space<vmem_shared>>)
        tpu.yield
      }) : () -> ()
      %eq3A_305 = arith.constant 0 : i32
      %eq3A_306 = arith.cmpi eq, %arg0, %eq3A_305 : i32
      %convert_element_type3A_307 = arith.extui %eq3A_306 : i1 to i32
      %cond3A_308 = arith.constant 0 : i32
      %cond3A_309 = arith.cmpi ne, %convert_element_type3A_307, %cond3A_308 : i32
      scf.if %cond3A_309 {
        %dma_start3A_325 = arith.constant 0 : i32
        %dma_start3A_326 = tpu.memref_slice %arg7[%add3A_294, %dma_start3A_325] : memref<250x80xi32, #tpu.memory_space<vmem>> -> memref<1x80xi32, #tpu.memory_space<vmem>>
        %dma_start3A_327 = tpu.memref_squeeze %dma_start3A_326 : memref<1x80xi32, #tpu.memory_space<vmem>> -> memref<80xi32, #tpu.memory_space<vmem>>
        %dma_start3A_328 = arith.constant 0 : i32
        %dma_start3A_329 = tpu.memref_slice %arg16[%dma_start3A_328] : memref<10240xf32, #tpu.memory_space<vmem_shared>> -> memref<10240xf32, #tpu.memory_space<vmem_shared>>
        tpu.enqueue_indirect_dma source(%arg13 : memref<80xf32, #tpu.memory_space<vmem>>) target(%dma_start3A_329 : memref<10240xf32, #tpu.memory_space<vmem_shared>>) offsets(%dma_start3A_327 : memref<80xi32, #tpu.memory_space<vmem>>) semaphore(%arg21 : memref<!tpu.dma_semaphore, #tpu.memory_space<semaphore_mem>>) {add = true}
      } else {
      }
      %eq3A_310 = arith.constant 0 : i32
      %eq3A_311 = arith.cmpi eq, %arg0, %eq3A_310 : i32
      %ge3A_312 = arith.constant 4 : i32
      %ge3A_313 = arith.cmpi sge, %add3A_294, %ge3A_312 : i32
      %and3A_314 = arith.andi %eq3A_311, %ge3A_313 : i1
      %convert_element_type3A_315 = arith.extui %and3A_314 : i1 to i32
      %cond3A_316 = arith.constant 0 : i32
      %cond3A_317 = arith.cmpi ne, %convert_element_type3A_315, %cond3A_316 : i32
      scf.if %cond3A_317 {
        %dma_wait3A_325 = arith.constant 0 : i32
        %dma_wait3A_326 = tpu.memref_slice %arg7[%add3A_294, %dma_wait3A_325] : memref<250x80xi32, #tpu.memory_space<vmem>> -> memref<1x80xi32, #tpu.memory_space<vmem>>
        %dma_wait3A_327 = tpu.memref_squeeze %dma_wait3A_326 : memref<1x80xi32, #tpu.memory_space<vmem>> -> memref<80xi32, #tpu.memory_space<vmem>>
        %dma_wait3A_328 = arith.constant 0 : i32
        %dma_wait3A_329 = tpu.memref_slice %arg16[%dma_wait3A_328] : memref<10240xf32, #tpu.memory_space<vmem_shared>> -> memref<10240xf32, #tpu.memory_space<vmem_shared>>
        tpu.wait_indirect_dma semaphore(%arg21 : memref<!tpu.dma_semaphore, #tpu.memory_space<semaphore_mem>>) src(%arg13 : memref<80xf32, #tpu.memory_space<vmem>>) dst(%dma_wait3A_329 : memref<10240xf32, #tpu.memory_space<vmem_shared>>)
      } else {
      }
      %add3A_318 = arith.constant 4 : i32
      %add3A_319 = arith.addi %add3A_294, %add3A_318 : i32
      %lt3A_320 = arith.constant 250 : i32
      %lt3A_321 = arith.cmpi slt, %add3A_319, %lt3A_320 : i32
      %convert_element_type3A_322 = arith.extui %lt3A_321 : i1 to i32
      %cond3A_323 = arith.constant 0 : i32
      %cond3A_324 = arith.cmpi ne, %convert_element_type3A_322, %cond3A_323 : i32
      scf.if %cond3A_324 {
        %add3A_325 = arith.constant 4 : i32
        %add3A_326 = arith.addi %add3A_294, %add3A_325 : i32
        %dma_start3A_327 = arith.constant 0 : i32
        %dma_start3A_328 = tpu.memref_slice %arg6[%add3A_326, %dma_start3A_327] : memref<250x80xi32, #tpu.memory_space<vmem>> -> memref<1x80xi32, #tpu.memory_space<vmem>>
        %dma_start3A_329 = tpu.memref_squeeze %dma_start3A_328 : memref<1x80xi32, #tpu.memory_space<vmem>> -> memref<80xi32, #tpu.memory_space<vmem>>
        %dma_start3A_330 = arith.constant 0 : i32
        %dma_start3A_331 = arith.constant 0 : i32
        %dma_start3A_332 = tpu.memref_slice %arg2[%arg0, %dma_start3A_330, %dma_start3A_331] : memref<2x10000x64xf32, #tpu.memory_space<hbm>> -> memref<1x10000x64xf32, #tpu.memory_space<hbm>>
        %dma_start3A_333 = tpu.memref_squeeze %dma_start3A_332 : memref<1x10000x64xf32, #tpu.memory_space<hbm>> -> memref<10000x64xf32, #tpu.memory_space<hbm>>
        %dma_start3A_334 = arith.constant 0 : i32
        %dma_start3A_335 = arith.constant 0 : i32
        %dma_start3A_336 = tpu.memref_slice %dma_start3A_333[%dma_start3A_334, %dma_start3A_335] : memref<10000x64xf32, #tpu.memory_space<hbm>> -> memref<10000x64xf32, #tpu.memory_space<hbm>>
        tpu.enqueue_indirect_dma source(%dma_start3A_336 : memref<10000x64xf32, #tpu.memory_space<hbm>>) target(%arg11 : memref<80x64xf32, #tpu.memory_space<vmem>>) offsets(%dma_start3A_329 : memref<80xi32, #tpu.memory_space<vmem>>) semaphore(%arg20 : memref<!tpu.dma_semaphore, #tpu.memory_space<semaphore_mem>>)
      } else {
      }
    }
    %scan3A_130 = arith.constant 62 : i32
    %dma_wait3A_131 = arith.constant 248 : i32
    %dma_wait3A_132 = arith.constant 0 : i32
    %dma_wait3A_133 = tpu.memref_slice %arg6[%dma_wait3A_131, %dma_wait3A_132] : memref<250x80xi32, #tpu.memory_space<vmem>> -> memref<1x80xi32, #tpu.memory_space<vmem>>
    %dma_wait3A_134 = tpu.memref_squeeze %dma_wait3A_133 : memref<1x80xi32, #tpu.memory_space<vmem>> -> memref<80xi32, #tpu.memory_space<vmem>>
    %dma_wait3A_135 = arith.constant 0 : i32
    %dma_wait3A_136 = arith.constant 0 : i32
    %dma_wait3A_137 = tpu.memref_slice %arg2[%arg0, %dma_wait3A_135, %dma_wait3A_136] : memref<2x10000x64xf32, #tpu.memory_space<hbm>> -> memref<1x10000x64xf32, #tpu.memory_space<hbm>>
    %dma_wait3A_138 = tpu.memref_squeeze %dma_wait3A_137 : memref<1x10000x64xf32, #tpu.memory_space<hbm>> -> memref<10000x64xf32, #tpu.memory_space<hbm>>
    %dma_wait3A_139 = arith.constant 0 : i32
    %dma_wait3A_140 = arith.constant 0 : i32
    %dma_wait3A_141 = tpu.memref_slice %dma_wait3A_138[%dma_wait3A_139, %dma_wait3A_140] : memref<10000x64xf32, #tpu.memory_space<hbm>> -> memref<10000x64xf32, #tpu.memory_space<hbm>>
    tpu.wait_indirect_dma semaphore(%arg17 : memref<!tpu.dma_semaphore, #tpu.memory_space<semaphore_mem>>) src(%dma_wait3A_141 : memref<10000x64xf32, #tpu.memory_space<hbm>>) dst(%arg8 : memref<80x64xf32, #tpu.memory_space<vmem>>)
    %run_scoped3A = arith.constant 248 : i32
    "tpu.region"() ({
      %run_scoped3A_191 = tpu.sem_alloc : memref<!tpu.dma_semaphore, #tpu.memory_space<semaphore_mem>>
      %dma_start3A_192 = arith.constant 0 : i32
      %dma_start3A_193 = tpu.memref_slice %arg7[%run_scoped3A, %dma_start3A_192] : memref<250x80xi32, #tpu.memory_space<vmem>> -> memref<1x80xi32, #tpu.memory_space<vmem>>
      %dma_start3A_194 = tpu.memref_squeeze %dma_start3A_193 : memref<1x80xi32, #tpu.memory_space<vmem>> -> memref<80xi32, #tpu.memory_space<vmem>>
      %dma_start3A_195 = arith.constant 0 : i32
      %dma_start3A_196 = arith.constant 0 : i32
      %dma_start3A_197 = tpu.memref_slice %arg15[%dma_start3A_195, %dma_start3A_196] : memref<10240x64xf32, #tpu.memory_space<vmem_shared>> -> memref<10240x64xf32, #tpu.memory_space<vmem_shared>>
      tpu.enqueue_indirect_dma source(%arg8 : memref<80x64xf32, #tpu.memory_space<vmem>>) target(%dma_start3A_197 : memref<10240x64xf32, #tpu.memory_space<vmem_shared>>) offsets(%dma_start3A_194 : memref<80xi32, #tpu.memory_space<vmem>>) semaphore(%run_scoped3A_191 : memref<!tpu.dma_semaphore, #tpu.memory_space<semaphore_mem>>) {add = true}
      %dma_wait3A_198 = arith.constant 0 : i32
      %dma_wait3A_199 = tpu.memref_slice %arg7[%run_scoped3A, %dma_wait3A_198] : memref<250x80xi32, #tpu.memory_space<vmem>> -> memref<1x80xi32, #tpu.memory_space<vmem>>
      %dma_wait3A_200 = tpu.memref_squeeze %dma_wait3A_199 : memref<1x80xi32, #tpu.memory_space<vmem>> -> memref<80xi32, #tpu.memory_space<vmem>>
      %dma_wait3A_201 = arith.constant 0 : i32
      %dma_wait3A_202 = arith.constant 0 : i32
      %dma_wait3A_203 = tpu.memref_slice %arg15[%dma_wait3A_201, %dma_wait3A_202] : memref<10240x64xf32, #tpu.memory_space<vmem_shared>> -> memref<10240x64xf32, #tpu.memory_space<vmem_shared>>
      tpu.wait_indirect_dma semaphore(%run_scoped3A_191 : memref<!tpu.dma_semaphore, #tpu.memory_space<semaphore_mem>>) src(%arg8 : memref<80x64xf32, #tpu.memory_space<vmem>>) dst(%dma_wait3A_203 : memref<10240x64xf32, #tpu.memory_space<vmem_shared>>)
      tpu.yield
    }) : () -> ()
    %eq3A_142 = arith.constant 0 : i32
    %eq3A_143 = arith.cmpi eq, %arg0, %eq3A_142 : i32
    %convert_element_type3A_144 = arith.extui %eq3A_143 : i1 to i32
    %cond3A_145 = arith.constant 0 : i32
    %cond3A_146 = arith.cmpi ne, %convert_element_type3A_144, %cond3A_145 : i32
    scf.if %cond3A_146 {
      %dma_start3A_191 = arith.constant 248 : i32
      %dma_start3A_192 = arith.constant 0 : i32
      %dma_start3A_193 = tpu.memref_slice %arg7[%dma_start3A_191, %dma_start3A_192] : memref<250x80xi32, #tpu.memory_space<vmem>> -> memref<1x80xi32, #tpu.memory_space<vmem>>
      %dma_start3A_194 = tpu.memref_squeeze %dma_start3A_193 : memref<1x80xi32, #tpu.memory_space<vmem>> -> memref<80xi32, #tpu.memory_space<vmem>>
      %dma_start3A_195 = arith.constant 0 : i32
      %dma_start3A_196 = tpu.memref_slice %arg16[%dma_start3A_195] : memref<10240xf32, #tpu.memory_space<vmem_shared>> -> memref<10240xf32, #tpu.memory_space<vmem_shared>>
      tpu.enqueue_indirect_dma source(%arg13 : memref<80xf32, #tpu.memory_space<vmem>>) target(%dma_start3A_196 : memref<10240xf32, #tpu.memory_space<vmem_shared>>) offsets(%dma_start3A_194 : memref<80xi32, #tpu.memory_space<vmem>>) semaphore(%arg21 : memref<!tpu.dma_semaphore, #tpu.memory_space<semaphore_mem>>) {add = true}
    } else {
    }
    %eq3A_147 = arith.constant 0 : i32
    %eq3A_148 = arith.cmpi eq, %arg0, %eq3A_147 : i32
    %and3A = arith.constant true
    %and3A_149 = arith.andi %eq3A_148, %and3A : i1
    %convert_element_type3A_150 = arith.extui %and3A_149 : i1 to i32
    %cond3A_151 = arith.constant 0 : i32
    %cond3A_152 = arith.cmpi ne, %convert_element_type3A_150, %cond3A_151 : i32
    scf.if %cond3A_152 {
      %dma_wait3A_191 = arith.constant 248 : i32
      %dma_wait3A_192 = arith.constant 0 : i32
      %dma_wait3A_193 = tpu.memref_slice %arg7[%dma_wait3A_191, %dma_wait3A_192] : memref<250x80xi32, #tpu.memory_space<vmem>> -> memref<1x80xi32, #tpu.memory_space<vmem>>
      %dma_wait3A_194 = tpu.memref_squeeze %dma_wait3A_193 : memref<1x80xi32, #tpu.memory_space<vmem>> -> memref<80xi32, #tpu.memory_space<vmem>>
      %dma_wait3A_195 = arith.constant 0 : i32
      %dma_wait3A_196 = tpu.memref_slice %arg16[%dma_wait3A_195] : memref<10240xf32, #tpu.memory_space<vmem_shared>> -> memref<10240xf32, #tpu.memory_space<vmem_shared>>
      tpu.wait_indirect_dma semaphore(%arg21 : memref<!tpu.dma_semaphore, #tpu.memory_space<semaphore_mem>>) src(%arg13 : memref<80xf32, #tpu.memory_space<vmem>>) dst(%dma_wait3A_196 : memref<10240xf32, #tpu.memory_space<vmem_shared>>)
    } else {
    }
    %dma_wait3A_153 = arith.constant 249 : i32
    %dma_wait3A_154 = arith.constant 0 : i32
    %dma_wait3A_155 = tpu.memref_slice %arg6[%dma_wait3A_153, %dma_wait3A_154] : memref<250x80xi32, #tpu.memory_space<vmem>> -> memref<1x80xi32, #tpu.memory_space<vmem>>
    %dma_wait3A_156 = tpu.memref_squeeze %dma_wait3A_155 : memref<1x80xi32, #tpu.memory_space<vmem>> -> memref<80xi32, #tpu.memory_space<vmem>>
    %dma_wait3A_157 = arith.constant 0 : i32
    %dma_wait3A_158 = arith.constant 0 : i32
    %dma_wait3A_159 = tpu.memref_slice %arg2[%arg0, %dma_wait3A_157, %dma_wait3A_158] : memref<2x10000x64xf32, #tpu.memory_space<hbm>> -> memref<1x10000x64xf32, #tpu.memory_space<hbm>>
    %dma_wait3A_160 = tpu.memref_squeeze %dma_wait3A_159 : memref<1x10000x64xf32, #tpu.memory_space<hbm>> -> memref<10000x64xf32, #tpu.memory_space<hbm>>
    %dma_wait3A_161 = arith.constant 0 : i32
    %dma_wait3A_162 = arith.constant 0 : i32
    %dma_wait3A_163 = tpu.memref_slice %dma_wait3A_160[%dma_wait3A_161, %dma_wait3A_162] : memref<10000x64xf32, #tpu.memory_space<hbm>> -> memref<10000x64xf32, #tpu.memory_space<hbm>>
    tpu.wait_indirect_dma semaphore(%arg18 : memref<!tpu.dma_semaphore, #tpu.memory_space<semaphore_mem>>) src(%dma_wait3A_163 : memref<10000x64xf32, #tpu.memory_space<hbm>>) dst(%arg9 : memref<80x64xf32, #tpu.memory_space<vmem>>)
    %run_scoped3A_164 = arith.constant 249 : i32
    "tpu.region"() ({
      %run_scoped3A_191 = tpu.sem_alloc : memref<!tpu.dma_semaphore, #tpu.memory_space<semaphore_mem>>
      %dma_start3A_192 = arith.constant 0 : i32
      %dma_start3A_193 = tpu.memref_slice %arg7[%run_scoped3A_164, %dma_start3A_192] : memref<250x80xi32, #tpu.memory_space<vmem>> -> memref<1x80xi32, #tpu.memory_space<vmem>>
      %dma_start3A_194 = tpu.memref_squeeze %dma_start3A_193 : memref<1x80xi32, #tpu.memory_space<vmem>> -> memref<80xi32, #tpu.memory_space<vmem>>
      %dma_start3A_195 = arith.constant 0 : i32
      %dma_start3A_196 = arith.constant 0 : i32
      %dma_start3A_197 = tpu.memref_slice %arg15[%dma_start3A_195, %dma_start3A_196] : memref<10240x64xf32, #tpu.memory_space<vmem_shared>> -> memref<10240x64xf32, #tpu.memory_space<vmem_shared>>
      tpu.enqueue_indirect_dma source(%arg9 : memref<80x64xf32, #tpu.memory_space<vmem>>) target(%dma_start3A_197 : memref<10240x64xf32, #tpu.memory_space<vmem_shared>>) offsets(%dma_start3A_194 : memref<80xi32, #tpu.memory_space<vmem>>) semaphore(%run_scoped3A_191 : memref<!tpu.dma_semaphore, #tpu.memory_space<semaphore_mem>>) {add = true}
      %dma_wait3A_198 = arith.constant 0 : i32
      %dma_wait3A_199 = tpu.memref_slice %arg7[%run_scoped3A_164, %dma_wait3A_198] : memref<250x80xi32, #tpu.memory_space<vmem>> -> memref<1x80xi32, #tpu.memory_space<vmem>>
      %dma_wait3A_200 = tpu.memref_squeeze %dma_wait3A_199 : memref<1x80xi32, #tpu.memory_space<vmem>> -> memref<80xi32, #tpu.memory_space<vmem>>
      %dma_wait3A_201 = arith.constant 0 : i32
      %dma_wait3A_202 = arith.constant 0 : i32
      %dma_wait3A_203 = tpu.memref_slice %arg15[%dma_wait3A_201, %dma_wait3A_202] : memref<10240x64xf32, #tpu.memory_space<vmem_shared>> -> memref<10240x64xf32, #tpu.memory_space<vmem_shared>>
      tpu.wait_indirect_dma semaphore(%run_scoped3A_191 : memref<!tpu.dma_semaphore, #tpu.memory_space<semaphore_mem>>) src(%arg9 : memref<80x64xf32, #tpu.memory_space<vmem>>) dst(%dma_wait3A_203 : memref<10240x64xf32, #tpu.memory_space<vmem_shared>>)
      tpu.yield
    }) : () -> ()
    %eq3A_165 = arith.constant 0 : i32
    %eq3A_166 = arith.cmpi eq, %arg0, %eq3A_165 : i32
    %convert_element_type3A_167 = arith.extui %eq3A_166 : i1 to i32
    %cond3A_168 = arith.constant 0 : i32
    %cond3A_169 = arith.cmpi ne, %convert_element_type3A_167, %cond3A_168 : i32
    scf.if %cond3A_169 {
      %dma_start3A_191 = arith.constant 249 : i32
      %dma_start3A_192 = arith.constant 0 : i32
      %dma_start3A_193 = tpu.memref_slice %arg7[%dma_start3A_191, %dma_start3A_192] : memref<250x80xi32, #tpu.memory_space<vmem>> -> memref<1x80xi32, #tpu.memory_space<vmem>>
      %dma_start3A_194 = tpu.memref_squeeze %dma_start3A_193 : memref<1x80xi32, #tpu.memory_space<vmem>> -> memref<80xi32, #tpu.memory_space<vmem>>
      %dma_start3A_195 = arith.constant 0 : i32
      %dma_start3A_196 = tpu.memref_slice %arg16[%dma_start3A_195] : memref<10240xf32, #tpu.memory_space<vmem_shared>> -> memref<10240xf32, #tpu.memory_space<vmem_shared>>
      tpu.enqueue_indirect_dma source(%arg13 : memref<80xf32, #tpu.memory_space<vmem>>) target(%dma_start3A_196 : memref<10240xf32, #tpu.memory_space<vmem_shared>>) offsets(%dma_start3A_194 : memref<80xi32, #tpu.memory_space<vmem>>) semaphore(%arg21 : memref<!tpu.dma_semaphore, #tpu.memory_space<semaphore_mem>>) {add = true}
    } else {
    }
    %eq3A_170 = arith.constant 0 : i32
    %eq3A_171 = arith.cmpi eq, %arg0, %eq3A_170 : i32
    %and3A_172 = arith.constant true
    %and3A_173 = arith.andi %eq3A_171, %and3A_172 : i1
    %convert_element_type3A_174 = arith.extui %and3A_173 : i1 to i32
    %cond3A_175 = arith.constant 0 : i32
    %cond3A_176 = arith.cmpi ne, %convert_element_type3A_174, %cond3A_175 : i32
    scf.if %cond3A_176 {
      %dma_wait3A_191 = arith.constant 249 : i32
      %dma_wait3A_192 = arith.constant 0 : i32
      %dma_wait3A_193 = tpu.memref_slice %arg7[%dma_wait3A_191, %dma_wait3A_192] : memref<250x80xi32, #tpu.memory_space<vmem>> -> memref<1x80xi32, #tpu.memory_space<vmem>>
      %dma_wait3A_194 = tpu.memref_squeeze %dma_wait3A_193 : memref<1x80xi32, #tpu.memory_space<vmem>> -> memref<80xi32, #tpu.memory_space<vmem>>
      %dma_wait3A_195 = arith.constant 0 : i32
      %dma_wait3A_196 = tpu.memref_slice %arg16[%dma_wait3A_195] : memref<10240xf32, #tpu.memory_space<vmem_shared>> -> memref<10240xf32, #tpu.memory_space<vmem_shared>>
      tpu.wait_indirect_dma semaphore(%arg21 : memref<!tpu.dma_semaphore, #tpu.memory_space<semaphore_mem>>) src(%arg13 : memref<80xf32, #tpu.memory_space<vmem>>) dst(%dma_wait3A_196 : memref<10240xf32, #tpu.memory_space<vmem_shared>>)
    } else {
    }
    %eq3A_177 = arith.constant 0 : i32
    %eq3A_178 = arith.cmpi eq, %arg0, %eq3A_177 : i32
    %convert_element_type3A_179 = arith.extui %eq3A_178 : i1 to i32
    %cond3A_180 = arith.constant 0 : i32
    %cond3A_181 = arith.cmpi ne, %convert_element_type3A_179, %cond3A_180 : i32
    scf.if %cond3A_181 {
      %dma_wait3A_191 = arith.constant 0 : i32
      %dma_wait3A_192 = arith.constant 0 : i32
      %dma_wait3A_193 = tpu.memref_slice %arg7[%dma_wait3A_191, %dma_wait3A_192] : memref<250x80xi32, #tpu.memory_space<vmem>> -> memref<1x80xi32, #tpu.memory_space<vmem>>
      %dma_wait3A_194 = tpu.memref_squeeze %dma_wait3A_193 : memref<1x80xi32, #tpu.memory_space<vmem>> -> memref<80xi32, #tpu.memory_space<vmem>>
      %dma_wait3A_195 = arith.constant 0 : i32
      %dma_wait3A_196 = tpu.memref_slice %arg16[%dma_wait3A_195] : memref<10240xf32, #tpu.memory_space<vmem_shared>> -> memref<10240xf32, #tpu.memory_space<vmem_shared>>
      tpu.wait_indirect_dma semaphore(%arg21 : memref<!tpu.dma_semaphore, #tpu.memory_space<semaphore_mem>>) src(%arg13 : memref<80xf32, #tpu.memory_space<vmem>>) dst(%dma_wait3A_196 : memref<10240xf32, #tpu.memory_space<vmem_shared>>)
      %dma_wait3A_197 = arith.constant 0 : i32
      %dma_wait3A_198 = arith.constant 0 : i32
      %dma_wait3A_199 = tpu.memref_slice %arg7[%dma_wait3A_197, %dma_wait3A_198] : memref<250x80xi32, #tpu.memory_space<vmem>> -> memref<1x80xi32, #tpu.memory_space<vmem>>
      %dma_wait3A_200 = tpu.memref_squeeze %dma_wait3A_199 : memref<1x80xi32, #tpu.memory_space<vmem>> -> memref<80xi32, #tpu.memory_space<vmem>>
      %dma_wait3A_201 = arith.constant 0 : i32
      %dma_wait3A_202 = tpu.memref_slice %arg16[%dma_wait3A_201] : memref<10240xf32, #tpu.memory_space<vmem_shared>> -> memref<10240xf32, #tpu.memory_space<vmem_shared>>
      tpu.wait_indirect_dma semaphore(%arg21 : memref<!tpu.dma_semaphore, #tpu.memory_space<semaphore_mem>>) src(%arg13 : memref<80xf32, #tpu.memory_space<vmem>>) dst(%dma_wait3A_202 : memref<10240xf32, #tpu.memory_space<vmem_shared>>)
      %dma_wait3A_203 = arith.constant 0 : i32
      %dma_wait3A_204 = arith.constant 0 : i32
      %dma_wait3A_205 = tpu.memref_slice %arg7[%dma_wait3A_203, %dma_wait3A_204] : memref<250x80xi32, #tpu.memory_space<vmem>> -> memref<1x80xi32, #tpu.memory_space<vmem>>
      %dma_wait3A_206 = tpu.memref_squeeze %dma_wait3A_205 : memref<1x80xi32, #tpu.memory_space<vmem>> -> memref<80xi32, #tpu.memory_space<vmem>>
      %dma_wait3A_207 = arith.constant 0 : i32
      %dma_wait3A_208 = tpu.memref_slice %arg16[%dma_wait3A_207] : memref<10240xf32, #tpu.memory_space<vmem_shared>> -> memref<10240xf32, #tpu.memory_space<vmem_shared>>
      tpu.wait_indirect_dma semaphore(%arg21 : memref<!tpu.dma_semaphore, #tpu.memory_space<semaphore_mem>>) src(%arg13 : memref<80xf32, #tpu.memory_space<vmem>>) dst(%dma_wait3A_208 : memref<10240xf32, #tpu.memory_space<vmem_shared>>)
      %dma_wait3A_209 = arith.constant 0 : i32
      %dma_wait3A_210 = arith.constant 0 : i32
      %dma_wait3A_211 = tpu.memref_slice %arg7[%dma_wait3A_209, %dma_wait3A_210] : memref<250x80xi32, #tpu.memory_space<vmem>> -> memref<1x80xi32, #tpu.memory_space<vmem>>
      %dma_wait3A_212 = tpu.memref_squeeze %dma_wait3A_211 : memref<1x80xi32, #tpu.memory_space<vmem>> -> memref<80xi32, #tpu.memory_space<vmem>>
      %dma_wait3A_213 = arith.constant 0 : i32
      %dma_wait3A_214 = tpu.memref_slice %arg16[%dma_wait3A_213] : memref<10240xf32, #tpu.memory_space<vmem_shared>> -> memref<10240xf32, #tpu.memory_space<vmem_shared>>
      tpu.wait_indirect_dma semaphore(%arg21 : memref<!tpu.dma_semaphore, #tpu.memory_space<semaphore_mem>>) src(%arg13 : memref<80xf32, #tpu.memory_space<vmem>>) dst(%dma_wait3A_214 : memref<10240xf32, #tpu.memory_space<vmem_shared>>)
    } else {
    }
    %barrier3A_182 = arith.constant 0 : index
    tpu.barrier barrier_id(%barrier3A_182)
    %mul3A = arith.constant 640 : i32
    %mul3A_183 = arith.muli %arg1, %mul3A : i32
    %mul3A_184 = arith.constant 640 : i32
    %mul3A_185 = arith.muli %arg1, %mul3A_184 : i32
    "tpu.region"() ({
      %run_scoped3A_191 = tpu.sem_alloc : memref<!tpu.dma_semaphore, #tpu.memory_space<semaphore_mem>>
      %dma_start3A_192 = arith.constant 0 : i32
      %dma_start3A_193 = tpu.memref_slice %arg4[%arg0, %mul3A_185, %dma_start3A_192] : memref<2x10240x64xf32, #tpu.memory_space<hbm>> -> memref<1x640x64xf32, #tpu.memory_space<hbm>>
      %dma_start3A_194 = tpu.memref_squeeze %dma_start3A_193 : memref<1x640x64xf32, #tpu.memory_space<hbm>> -> memref<640x64xf32, #tpu.memory_space<hbm>>
      %dma_start3A_195 = arith.constant 0 : i32
      %dma_start3A_196 = tpu.memref_slice %arg15[%mul3A_183, %dma_start3A_195] : memref<10240x64xf32, #tpu.memory_space<vmem_shared>> -> memref<640x64xf32, #tpu.memory_space<vmem_shared>>
      tpu.enqueue_dma source(%dma_start3A_196 : memref<640x64xf32, #tpu.memory_space<vmem_shared>>) target(%dma_start3A_194 : memref<640x64xf32, #tpu.memory_space<hbm>>) target_semaphore(%run_scoped3A_191 : memref<!tpu.dma_semaphore, #tpu.memory_space<semaphore_mem>>)
      %dma_wait3A_197 = arith.constant 0 : i32
      %dma_wait3A_198 = tpu.memref_slice %arg4[%arg0, %mul3A_185, %dma_wait3A_197] : memref<2x10240x64xf32, #tpu.memory_space<hbm>> -> memref<1x640x64xf32, #tpu.memory_space<hbm>>
      %dma_wait3A_199 = tpu.memref_squeeze %dma_wait3A_198 : memref<1x640x64xf32, #tpu.memory_space<hbm>> -> memref<640x64xf32, #tpu.memory_space<hbm>>
      %dma_wait3A_200 = arith.constant 0 : i32
      %dma_wait3A_201 = tpu.memref_slice %arg15[%mul3A_183, %dma_wait3A_200] : memref<10240x64xf32, #tpu.memory_space<vmem_shared>> -> memref<640x64xf32, #tpu.memory_space<vmem_shared>>
      tpu.wait_dma2 semaphore(%run_scoped3A_191 : memref<!tpu.dma_semaphore, #tpu.memory_space<semaphore_mem>>) src(%dma_wait3A_201 : memref<640x64xf32, #tpu.memory_space<vmem_shared>>) dst(%dma_wait3A_199 : memref<640x64xf32, #tpu.memory_space<hbm>>)
      tpu.yield
    }) : () -> ()
    %eq3A_186 = arith.constant 0 : i32
    %eq3A_187 = arith.cmpi eq, %arg0, %eq3A_186 : i32
    %convert_element_type3A_188 = arith.extui %eq3A_187 : i1 to i32
    %cond3A_189 = arith.constant 0 : i32
    %cond3A_190 = arith.cmpi ne, %convert_element_type3A_188, %cond3A_189 : i32
    scf.if %cond3A_190 {
      %mul3A_191 = arith.constant 640 : i32
      %mul3A_192 = arith.muli %arg1, %mul3A_191 : i32
      %mul3A_193 = arith.constant 640 : i32
      %mul3A_194 = arith.muli %arg1, %mul3A_193 : i32
      "tpu.region"() ({
        %run_scoped3A_195 = tpu.sem_alloc : memref<!tpu.dma_semaphore, #tpu.memory_space<semaphore_mem>>
        %dma_start3A_196 = tpu.memref_slice %arg5[%mul3A_194] : memref<10240xf32, #tpu.memory_space<hbm>> -> memref<640xf32, #tpu.memory_space<hbm>>
        %dma_start3A_197 = tpu.memref_slice %arg16[%mul3A_192] : memref<10240xf32, #tpu.memory_space<vmem_shared>> -> memref<640xf32, #tpu.memory_space<vmem_shared>>
        tpu.enqueue_dma source(%dma_start3A_197 : memref<640xf32, #tpu.memory_space<vmem_shared>>) target(%dma_start3A_196 : memref<640xf32, #tpu.memory_space<hbm>>) target_semaphore(%run_scoped3A_195 : memref<!tpu.dma_semaphore, #tpu.memory_space<semaphore_mem>>)
        %dma_wait3A_198 = tpu.memref_slice %arg5[%mul3A_194] : memref<10240xf32, #tpu.memory_space<hbm>> -> memref<640xf32, #tpu.memory_space<hbm>>
        %dma_wait3A_199 = tpu.memref_slice %arg16[%mul3A_192] : memref<10240xf32, #tpu.memory_space<vmem_shared>> -> memref<640xf32, #tpu.memory_space<vmem_shared>>
        tpu.wait_dma2 semaphore(%run_scoped3A_195 : memref<!tpu.dma_semaphore, #tpu.memory_space<semaphore_mem>>) src(%dma_wait3A_199 : memref<640xf32, #tpu.memory_space<vmem_shared>>) dst(%dma_wait3A_198 : memref<640xf32, #tpu.memory_space<hbm>>)
        tpu.yield
      }) : () -> ()
    } else {
    }
    return
  }
}

#map = affine_map<(d0, d1) -> (0, 0, 0, 0)>
#map1 = affine_map<(d0, d1) -> (0, 0)>
module attributes {stable_mosaic.version = 14 : i64} {
  func.func @deg_kernel(%arg0: i32, %arg1: i32, %arg2: memref<2x16x250x80xi32, #tpu.memory_space<hbm>>, %arg3: memref<2x10240xf32, #tpu.memory_space<hbm>>, %arg4: memref<125x80xi32, #tpu.memory_space<vmem>>, %arg5: memref<80xf32, #tpu.memory_space<vmem>>, %arg6: memref<640xf32, #tpu.memory_space<vmem>>, %arg7: memref<10240xf32, #tpu.memory_space<vmem_shared>>, %arg8: memref<!tpu.dma_semaphore, #tpu.memory_space<semaphore_mem>>) attributes {dimension_semantics = [#tpu.dimension_semantics<core_parallel>, #tpu.dimension_semantics<subcore_parallel>], iteration_bounds = array<i64: 2, 16>, scalar_prefetch = 0 : i64, scratch_operands = 5 : i64, tpu.core_type = #tpu.core_type<sc_vector_subcore>, window_params = [{transform_indices = #map}, {transform_indices = #map1}]} {
    %broadcast_in_dim3A = arith.constant 1.000000e+00 : f32
    %broadcast_in_dim3A_0 = vector.broadcast %broadcast_in_dim3A : f32 to vector<16xf32>
    %swap3A = arith.constant 0 : index
    %swap3A_1 = tpu.vector_load %arg5[%swap3A] {strides = array<i32>} : memref<80xf32, #tpu.memory_space<vmem>>, vector<16xf32>,
    %swap3A_2 = vector.shape_cast %swap3A_1 : vector<16xf32> to vector<16xf32>
    %swap3A_3 = vector.shape_cast %broadcast_in_dim3A_0 : vector<16xf32> to vector<16xf32>
    tpu.vector_store %arg5[%swap3A], %swap3A_3 {strides = array<i32>} : memref<80xf32, #tpu.memory_space<vmem>>, vector<16xf32>,
    %broadcast_in_dim3A_4 = arith.constant 1.000000e+00 : f32
    %broadcast_in_dim3A_5 = vector.broadcast %broadcast_in_dim3A_4 : f32 to vector<16xf32>
    %swap3A_6 = arith.constant 16 : index
    %swap3A_7 = tpu.vector_load %arg5[%swap3A_6] {strides = array<i32>} : memref<80xf32, #tpu.memory_space<vmem>>, vector<16xf32>,
    %swap3A_8 = vector.shape_cast %swap3A_7 : vector<16xf32> to vector<16xf32>
    %swap3A_9 = vector.shape_cast %broadcast_in_dim3A_5 : vector<16xf32> to vector<16xf32>
    tpu.vector_store %arg5[%swap3A_6], %swap3A_9 {strides = array<i32>} : memref<80xf32, #tpu.memory_space<vmem>>, vector<16xf32>,
    %broadcast_in_dim3A_10 = arith.constant 1.000000e+00 : f32
    %broadcast_in_dim3A_11 = vector.broadcast %broadcast_in_dim3A_10 : f32 to vector<16xf32>
    %swap3A_12 = arith.constant 32 : index
    %swap3A_13 = tpu.vector_load %arg5[%swap3A_12] {strides = array<i32>} : memref<80xf32, #tpu.memory_space<vmem>>, vector<16xf32>,
    %swap3A_14 = vector.shape_cast %swap3A_13 : vector<16xf32> to vector<16xf32>
    %swap3A_15 = vector.shape_cast %broadcast_in_dim3A_11 : vector<16xf32> to vector<16xf32>
    tpu.vector_store %arg5[%swap3A_12], %swap3A_15 {strides = array<i32>} : memref<80xf32, #tpu.memory_space<vmem>>, vector<16xf32>,
    %broadcast_in_dim3A_16 = arith.constant 1.000000e+00 : f32
    %broadcast_in_dim3A_17 = vector.broadcast %broadcast_in_dim3A_16 : f32 to vector<16xf32>
    %swap3A_18 = arith.constant 48 : index
    %swap3A_19 = tpu.vector_load %arg5[%swap3A_18] {strides = array<i32>} : memref<80xf32, #tpu.memory_space<vmem>>, vector<16xf32>,
    %swap3A_20 = vector.shape_cast %swap3A_19 : vector<16xf32> to vector<16xf32>
    %swap3A_21 = vector.shape_cast %broadcast_in_dim3A_17 : vector<16xf32> to vector<16xf32>
    tpu.vector_store %arg5[%swap3A_18], %swap3A_21 {strides = array<i32>} : memref<80xf32, #tpu.memory_space<vmem>>, vector<16xf32>,
    %broadcast_in_dim3A_22 = arith.constant 1.000000e+00 : f32
    %broadcast_in_dim3A_23 = vector.broadcast %broadcast_in_dim3A_22 : f32 to vector<16xf32>
    %swap3A_24 = arith.constant 64 : index
    %swap3A_25 = tpu.vector_load %arg5[%swap3A_24] {strides = array<i32>} : memref<80xf32, #tpu.memory_space<vmem>>, vector<16xf32>,
    %swap3A_26 = vector.shape_cast %swap3A_25 : vector<16xf32> to vector<16xf32>
    %swap3A_27 = vector.shape_cast %broadcast_in_dim3A_23 : vector<16xf32> to vector<16xf32>
    tpu.vector_store %arg5[%swap3A_24], %swap3A_27 {strides = array<i32>} : memref<80xf32, #tpu.memory_space<vmem>>, vector<16xf32>,
    %scan3A = arith.constant 0 : i32
    %scan3A_28 = arith.constant 0 : i32
    %scan3A_29 = arith.constant 40 : i32
    %scan3A_30 = arith.addi %scan3A_28, %scan3A_29 : i32
    %scan3A_31 = arith.constant 1 : i32
    scf.for %scan3A_55 = %scan3A_28 to %scan3A_30 step %scan3A_31  : i32 {
      %broadcast_in_dim3A_56 = arith.constant 0.000000e+00 : f32
      %broadcast_in_dim3A_57 = vector.broadcast %broadcast_in_dim3A_56 : f32 to vector<16xf32>
      %mul3A_58 = arith.constant 16 : i32
      %mul3A_59 = arith.muli %scan3A_55, %mul3A_58 : i32
      %swap3A_60 = arith.index_cast %mul3A_59 : i32 to index
      %swap3A_61 = tpu.vector_load %arg6[%swap3A_60] {strides = array<i32>} : memref<640xf32, #tpu.memory_space<vmem>>, vector<16xf32>,
      %swap3A_62 = vector.shape_cast %swap3A_61 : vector<16xf32> to vector<16xf32>
      %swap3A_63 = vector.shape_cast %broadcast_in_dim3A_57 : vector<16xf32> to vector<16xf32>
      tpu.vector_store %arg6[%swap3A_60], %swap3A_63 {strides = array<i32>} : memref<640xf32, #tpu.memory_space<vmem>>, vector<16xf32>,
    }
    %scan3A_32 = arith.constant 40 : i32
    %mul3A = arith.constant 125 : i32
    %mul3A_33 = arith.muli %arg0, %mul3A : i32
    %dma_start3A = arith.constant 0 : i32
    %dma_start3A_34 = arith.constant 0 : i32
    %dma_start3A_35 = tpu.memref_slice %arg2[%dma_start3A, %arg1, %mul3A_33, %dma_start3A_34] : memref<2x16x250x80xi32, #tpu.memory_space<hbm>> -> memref<1x1x125x80xi32, #tpu.memory_space<hbm>>
    %dma_start3A_36 = tpu.memref_squeeze %dma_start3A_35 : memref<1x1x125x80xi32, #tpu.memory_space<hbm>> -> memref<125x80xi32, #tpu.memory_space<hbm>>
    %dma_start3A_37 = arith.constant 0 : i32
    %dma_start3A_38 = tpu.memref_slice %arg2[%dma_start3A, %arg1, %mul3A_33, %dma_start3A_37] : memref<2x16x250x80xi32, #tpu.memory_space<hbm>> -> memref<1x1x125x80xi32, #tpu.memory_space<hbm>>
    %dma_start3A_39 = tpu.memref_squeeze %dma_start3A_38 : memref<1x1x125x80xi32, #tpu.memory_space<hbm>> -> memref<125x80xi32, #tpu.memory_space<hbm>>
    tpu.enqueue_dma source(%dma_start3A_39 : memref<125x80xi32, #tpu.memory_space<hbm>>) target(%arg4 : memref<125x80xi32, #tpu.memory_space<vmem>>) target_semaphore(%arg8 : memref<!tpu.dma_semaphore, #tpu.memory_space<semaphore_mem>>)
    %mul3A_40 = arith.constant 640 : i32
    %mul3A_41 = arith.muli %arg1, %mul3A_40 : i32
    "tpu.region"() ({
      %run_scoped3A = tpu.sem_alloc : memref<!tpu.dma_semaphore, #tpu.memory_space<semaphore_mem>>
      %dma_start3A_55 = tpu.memref_slice %arg7[%mul3A_41] : memref<10240xf32, #tpu.memory_space<vmem_shared>> -> memref<640xf32, #tpu.memory_space<vmem_shared>>
      %dma_start3A_56 = tpu.memref_slice %arg7[%mul3A_41] : memref<10240xf32, #tpu.memory_space<vmem_shared>> -> memref<640xf32, #tpu.memory_space<vmem_shared>>
      tpu.enqueue_dma source(%arg6 : memref<640xf32, #tpu.memory_space<vmem>>) target(%dma_start3A_56 : memref<640xf32, #tpu.memory_space<vmem_shared>>) target_semaphore(%run_scoped3A : memref<!tpu.dma_semaphore, #tpu.memory_space<semaphore_mem>>)
      %dma_wait3A_57 = tpu.memref_slice %arg7[%mul3A_41] : memref<10240xf32, #tpu.memory_space<vmem_shared>> -> memref<640xf32, #tpu.memory_space<vmem_shared>>
      %dma_wait3A_58 = tpu.memref_slice %arg7[%mul3A_41] : memref<10240xf32, #tpu.memory_space<vmem_shared>> -> memref<640xf32, #tpu.memory_space<vmem_shared>>
      tpu.wait_dma2 semaphore(%run_scoped3A : memref<!tpu.dma_semaphore, #tpu.memory_space<semaphore_mem>>) src(%arg6 : memref<640xf32, #tpu.memory_space<vmem>>) dst(%dma_wait3A_58 : memref<640xf32, #tpu.memory_space<vmem_shared>>)
      tpu.yield
    }) : () -> ()
    %dma_wait3A = arith.constant 0 : i32
    %dma_wait3A_42 = arith.constant 0 : i32
    %dma_wait3A_43 = tpu.memref_slice %arg2[%dma_wait3A, %arg1, %mul3A_33, %dma_wait3A_42] : memref<2x16x250x80xi32, #tpu.memory_space<hbm>> -> memref<1x1x125x80xi32, #tpu.memory_space<hbm>>
    %dma_wait3A_44 = tpu.memref_squeeze %dma_wait3A_43 : memref<1x1x125x80xi32, #tpu.memory_space<hbm>> -> memref<125x80xi32, #tpu.memory_space<hbm>>
    %dma_wait3A_45 = arith.constant 0 : i32
    %dma_wait3A_46 = tpu.memref_slice %arg2[%dma_wait3A, %arg1, %mul3A_33, %dma_wait3A_45] : memref<2x16x250x80xi32, #tpu.memory_space<hbm>> -> memref<1x1x125x80xi32, #tpu.memory_space<hbm>>
    %dma_wait3A_47 = tpu.memref_squeeze %dma_wait3A_46 : memref<1x1x125x80xi32, #tpu.memory_space<hbm>> -> memref<125x80xi32, #tpu.memory_space<hbm>>
    tpu.wait_dma2 semaphore(%arg8 : memref<!tpu.dma_semaphore, #tpu.memory_space<semaphore_mem>>) src(%dma_wait3A_47 : memref<125x80xi32, #tpu.memory_space<hbm>>) dst(%arg4 : memref<125x80xi32, #tpu.memory_space<vmem>>)
    %barrier3A = arith.constant 0 : index
    tpu.barrier barrier_id(%barrier3A)
    %scan3A_48 = arith.constant 0 : i32
    %scan3A_49 = arith.constant 0 : i32
    %scan3A_50 = arith.constant 25 : i32
    %scan3A_51 = arith.addi %scan3A_49, %scan3A_50 : i32
    %scan3A_52 = arith.constant 1 : i32
    scf.for %scan3A_55 = %scan3A_49 to %scan3A_51 step %scan3A_52  : i32 {
      %mul3A_56 = arith.constant 5 : i32
      %mul3A_57 = arith.muli %scan3A_55, %mul3A_56 : i32
      %add3A = arith.constant 0 : i32
      %add3A_58 = arith.addi %mul3A_57, %add3A : i32
      %dma_start3A_59 = arith.constant 0 : i32
      %dma_start3A_60 = tpu.memref_slice %arg4[%add3A_58, %dma_start3A_59] : memref<125x80xi32, #tpu.memory_space<vmem>> -> memref<1x80xi32, #tpu.memory_space<vmem>>
      %dma_start3A_61 = tpu.memref_squeeze %dma_start3A_60 : memref<1x80xi32, #tpu.memory_space<vmem>> -> memref<80xi32, #tpu.memory_space<vmem>>
      %dma_start3A_62 = arith.constant 0 : i32
      %dma_start3A_63 = tpu.memref_slice %arg7[%dma_start3A_62] : memref<10240xf32, #tpu.memory_space<vmem_shared>> -> memref<10240xf32, #tpu.memory_space<vmem_shared>>
      tpu.enqueue_indirect_dma source(%arg5 : memref<80xf32, #tpu.memory_space<vmem>>) target(%dma_start3A_63 : memref<10240xf32, #tpu.memory_space<vmem_shared>>) offsets(%dma_start3A_61 : memref<80xi32, #tpu.memory_space<vmem>>) semaphore(%arg8 : memref<!tpu.dma_semaphore, #tpu.memory_space<semaphore_mem>>) {add = true}
      %mul3A_64 = arith.constant 5 : i32
      %mul3A_65 = arith.muli %scan3A_55, %mul3A_64 : i32
      %add3A_66 = arith.constant 1 : i32
      %add3A_67 = arith.addi %mul3A_65, %add3A_66 : i32
      %dma_start3A_68 = arith.constant 0 : i32
      %dma_start3A_69 = tpu.memref_slice %arg4[%add3A_67, %dma_start3A_68] : memref<125x80xi32, #tpu.memory_space<vmem>> -> memref<1x80xi32, #tpu.memory_space<vmem>>
      %dma_start3A_70 = tpu.memref_squeeze %dma_start3A_69 : memref<1x80xi32, #tpu.memory_space<vmem>> -> memref<80xi32, #tpu.memory_space<vmem>>
      %dma_start3A_71 = arith.constant 0 : i32
      %dma_start3A_72 = tpu.memref_slice %arg7[%dma_start3A_71] : memref<10240xf32, #tpu.memory_space<vmem_shared>> -> memref<10240xf32, #tpu.memory_space<vmem_shared>>
      tpu.enqueue_indirect_dma source(%arg5 : memref<80xf32, #tpu.memory_space<vmem>>) target(%dma_start3A_72 : memref<10240xf32, #tpu.memory_space<vmem_shared>>) offsets(%dma_start3A_70 : memref<80xi32, #tpu.memory_space<vmem>>) semaphore(%arg8 : memref<!tpu.dma_semaphore, #tpu.memory_space<semaphore_mem>>) {add = true}
      %mul3A_73 = arith.constant 5 : i32
      %mul3A_74 = arith.muli %scan3A_55, %mul3A_73 : i32
      %add3A_75 = arith.constant 2 : i32
      %add3A_76 = arith.addi %mul3A_74, %add3A_75 : i32
      %dma_start3A_77 = arith.constant 0 : i32
      %dma_start3A_78 = tpu.memref_slice %arg4[%add3A_76, %dma_start3A_77] : memref<125x80xi32, #tpu.memory_space<vmem>> -> memref<1x80xi32, #tpu.memory_space<vmem>>
      %dma_start3A_79 = tpu.memref_squeeze %dma_start3A_78 : memref<1x80xi32, #tpu.memory_space<vmem>> -> memref<80xi32, #tpu.memory_space<vmem>>
      %dma_start3A_80 = arith.constant 0 : i32
      %dma_start3A_81 = tpu.memref_slice %arg7[%dma_start3A_80] : memref<10240xf32, #tpu.memory_space<vmem_shared>> -> memref<10240xf32, #tpu.memory_space<vmem_shared>>
      tpu.enqueue_indirect_dma source(%arg5 : memref<80xf32, #tpu.memory_space<vmem>>) target(%dma_start3A_81 : memref<10240xf32, #tpu.memory_space<vmem_shared>>) offsets(%dma_start3A_79 : memref<80xi32, #tpu.memory_space<vmem>>) semaphore(%arg8 : memref<!tpu.dma_semaphore, #tpu.memory_space<semaphore_mem>>) {add = true}
      %mul3A_82 = arith.constant 5 : i32
      %mul3A_83 = arith.muli %scan3A_55, %mul3A_82 : i32
      %add3A_84 = arith.constant 3 : i32
      %add3A_85 = arith.addi %mul3A_83, %add3A_84 : i32
      %dma_start3A_86 = arith.constant 0 : i32
      %dma_start3A_87 = tpu.memref_slice %arg4[%add3A_85, %dma_start3A_86] : memref<125x80xi32, #tpu.memory_space<vmem>> -> memref<1x80xi32, #tpu.memory_space<vmem>>
      %dma_start3A_88 = tpu.memref_squeeze %dma_start3A_87 : memref<1x80xi32, #tpu.memory_space<vmem>> -> memref<80xi32, #tpu.memory_space<vmem>>
      %dma_start3A_89 = arith.constant 0 : i32
      %dma_start3A_90 = tpu.memref_slice %arg7[%dma_start3A_89] : memref<10240xf32, #tpu.memory_space<vmem_shared>> -> memref<10240xf32, #tpu.memory_space<vmem_shared>>
      tpu.enqueue_indirect_dma source(%arg5 : memref<80xf32, #tpu.memory_space<vmem>>) target(%dma_start3A_90 : memref<10240xf32, #tpu.memory_space<vmem_shared>>) offsets(%dma_start3A_88 : memref<80xi32, #tpu.memory_space<vmem>>) semaphore(%arg8 : memref<!tpu.dma_semaphore, #tpu.memory_space<semaphore_mem>>) {add = true}
      %mul3A_91 = arith.constant 5 : i32
      %mul3A_92 = arith.muli %scan3A_55, %mul3A_91 : i32
      %add3A_93 = arith.constant 4 : i32
      %add3A_94 = arith.addi %mul3A_92, %add3A_93 : i32
      %dma_start3A_95 = arith.constant 0 : i32
      %dma_start3A_96 = tpu.memref_slice %arg4[%add3A_94, %dma_start3A_95] : memref<125x80xi32, #tpu.memory_space<vmem>> -> memref<1x80xi32, #tpu.memory_space<vmem>>
      %dma_start3A_97 = tpu.memref_squeeze %dma_start3A_96 : memref<1x80xi32, #tpu.memory_space<vmem>> -> memref<80xi32, #tpu.memory_space<vmem>>
      %dma_start3A_98 = arith.constant 0 : i32
      %dma_start3A_99 = tpu.memref_slice %arg7[%dma_start3A_98] : memref<10240xf32, #tpu.memory_space<vmem_shared>> -> memref<10240xf32, #tpu.memory_space<vmem_shared>>
      tpu.enqueue_indirect_dma source(%arg5 : memref<80xf32, #tpu.memory_space<vmem>>) target(%dma_start3A_99 : memref<10240xf32, #tpu.memory_space<vmem_shared>>) offsets(%dma_start3A_97 : memref<80xi32, #tpu.memory_space<vmem>>) semaphore(%arg8 : memref<!tpu.dma_semaphore, #tpu.memory_space<semaphore_mem>>) {add = true}
      %dma_wait3A_100 = arith.constant 0 : i32
      %dma_wait3A_101 = tpu.memref_slice %arg4[%add3A_58, %dma_wait3A_100] : memref<125x80xi32, #tpu.memory_space<vmem>> -> memref<1x80xi32, #tpu.memory_space<vmem>>
      %dma_wait3A_102 = tpu.memref_squeeze %dma_wait3A_101 : memref<1x80xi32, #tpu.memory_space<vmem>> -> memref<80xi32, #tpu.memory_space<vmem>>
      %dma_wait3A_103 = arith.constant 0 : i32
      %dma_wait3A_104 = tpu.memref_slice %arg7[%dma_wait3A_103] : memref<10240xf32, #tpu.memory_space<vmem_shared>> -> memref<10240xf32, #tpu.memory_space<vmem_shared>>
      tpu.wait_indirect_dma semaphore(%arg8 : memref<!tpu.dma_semaphore, #tpu.memory_space<semaphore_mem>>) src(%arg5 : memref<80xf32, #tpu.memory_space<vmem>>) dst(%dma_wait3A_104 : memref<10240xf32, #tpu.memory_space<vmem_shared>>)
      %dma_wait3A_105 = arith.constant 0 : i32
      %dma_wait3A_106 = tpu.memref_slice %arg4[%add3A_67, %dma_wait3A_105] : memref<125x80xi32, #tpu.memory_space<vmem>> -> memref<1x80xi32, #tpu.memory_space<vmem>>
      %dma_wait3A_107 = tpu.memref_squeeze %dma_wait3A_106 : memref<1x80xi32, #tpu.memory_space<vmem>> -> memref<80xi32, #tpu.memory_space<vmem>>
      %dma_wait3A_108 = arith.constant 0 : i32
      %dma_wait3A_109 = tpu.memref_slice %arg7[%dma_wait3A_108] : memref<10240xf32, #tpu.memory_space<vmem_shared>> -> memref<10240xf32, #tpu.memory_space<vmem_shared>>
      tpu.wait_indirect_dma semaphore(%arg8 : memref<!tpu.dma_semaphore, #tpu.memory_space<semaphore_mem>>) src(%arg5 : memref<80xf32, #tpu.memory_space<vmem>>) dst(%dma_wait3A_109 : memref<10240xf32, #tpu.memory_space<vmem_shared>>)
      %dma_wait3A_110 = arith.constant 0 : i32
      %dma_wait3A_111 = tpu.memref_slice %arg4[%add3A_76, %dma_wait3A_110] : memref<125x80xi32, #tpu.memory_space<vmem>> -> memref<1x80xi32, #tpu.memory_space<vmem>>
      %dma_wait3A_112 = tpu.memref_squeeze %dma_wait3A_111 : memref<1x80xi32, #tpu.memory_space<vmem>> -> memref<80xi32, #tpu.memory_space<vmem>>
      %dma_wait3A_113 = arith.constant 0 : i32
      %dma_wait3A_114 = tpu.memref_slice %arg7[%dma_wait3A_113] : memref<10240xf32, #tpu.memory_space<vmem_shared>> -> memref<10240xf32, #tpu.memory_space<vmem_shared>>
      tpu.wait_indirect_dma semaphore(%arg8 : memref<!tpu.dma_semaphore, #tpu.memory_space<semaphore_mem>>) src(%arg5 : memref<80xf32, #tpu.memory_space<vmem>>) dst(%dma_wait3A_114 : memref<10240xf32, #tpu.memory_space<vmem_shared>>)
      %dma_wait3A_115 = arith.constant 0 : i32
      %dma_wait3A_116 = tpu.memref_slice %arg4[%add3A_85, %dma_wait3A_115] : memref<125x80xi32, #tpu.memory_space<vmem>> -> memref<1x80xi32, #tpu.memory_space<vmem>>
      %dma_wait3A_117 = tpu.memref_squeeze %dma_wait3A_116 : memref<1x80xi32, #tpu.memory_space<vmem>> -> memref<80xi32, #tpu.memory_space<vmem>>
      %dma_wait3A_118 = arith.constant 0 : i32
      %dma_wait3A_119 = tpu.memref_slice %arg7[%dma_wait3A_118] : memref<10240xf32, #tpu.memory_space<vmem_shared>> -> memref<10240xf32, #tpu.memory_space<vmem_shared>>
      tpu.wait_indirect_dma semaphore(%arg8 : memref<!tpu.dma_semaphore, #tpu.memory_space<semaphore_mem>>) src(%arg5 : memref<80xf32, #tpu.memory_space<vmem>>) dst(%dma_wait3A_119 : memref<10240xf32, #tpu.memory_space<vmem_shared>>)
      %dma_wait3A_120 = arith.constant 0 : i32
      %dma_wait3A_121 = tpu.memref_slice %arg4[%add3A_94, %dma_wait3A_120] : memref<125x80xi32, #tpu.memory_space<vmem>> -> memref<1x80xi32, #tpu.memory_space<vmem>>
      %dma_wait3A_122 = tpu.memref_squeeze %dma_wait3A_121 : memref<1x80xi32, #tpu.memory_space<vmem>> -> memref<80xi32, #tpu.memory_space<vmem>>
      %dma_wait3A_123 = arith.constant 0 : i32
      %dma_wait3A_124 = tpu.memref_slice %arg7[%dma_wait3A_123] : memref<10240xf32, #tpu.memory_space<vmem_shared>> -> memref<10240xf32, #tpu.memory_space<vmem_shared>>
      tpu.wait_indirect_dma semaphore(%arg8 : memref<!tpu.dma_semaphore, #tpu.memory_space<semaphore_mem>>) src(%arg5 : memref<80xf32, #tpu.memory_space<vmem>>) dst(%dma_wait3A_124 : memref<10240xf32, #tpu.memory_space<vmem_shared>>)
    }
    %scan3A_53 = arith.constant 25 : i32
    %barrier3A_54 = arith.constant 0 : index
    tpu.barrier barrier_id(%barrier3A_54)
    "tpu.region"() ({
      %run_scoped3A = tpu.sem_alloc : memref<!tpu.dma_semaphore, #tpu.memory_space<semaphore_mem>>
      %dma_start3A_55 = tpu.memref_slice %arg3[%arg0, %mul3A_41] : memref<2x10240xf32, #tpu.memory_space<hbm>> -> memref<1x640xf32, #tpu.memory_space<hbm>>
      %dma_start3A_56 = tpu.memref_squeeze %dma_start3A_55 : memref<1x640xf32, #tpu.memory_space<hbm>> -> memref<640xf32, #tpu.memory_space<hbm>>
      %dma_start3A_57 = tpu.memref_slice %arg7[%mul3A_41] : memref<10240xf32, #tpu.memory_space<vmem_shared>> -> memref<640xf32, #tpu.memory_space<vmem_shared>>
      tpu.enqueue_dma source(%dma_start3A_57 : memref<640xf32, #tpu.memory_space<vmem_shared>>) target(%dma_start3A_56 : memref<640xf32, #tpu.memory_space<hbm>>) target_semaphore(%run_scoped3A : memref<!tpu.dma_semaphore, #tpu.memory_space<semaphore_mem>>)
      %dma_wait3A_58 = tpu.memref_slice %arg3[%arg0, %mul3A_41] : memref<2x10240xf32, #tpu.memory_space<hbm>> -> memref<1x640xf32, #tpu.memory_space<hbm>>
      %dma_wait3A_59 = tpu.memref_squeeze %dma_wait3A_58 : memref<1x640xf32, #tpu.memory_space<hbm>> -> memref<640xf32, #tpu.memory_space<hbm>>
      %dma_wait3A_60 = tpu.memref_slice %arg7[%mul3A_41] : memref<10240xf32, #tpu.memory_space<vmem_shared>> -> memref<640xf32, #tpu.memory_space<vmem_shared>>
      tpu.wait_dma2 semaphore(%run_scoped3A : memref<!tpu.dma_semaphore, #tpu.memory_space<semaphore_mem>>) src(%dma_wait3A_60 : memref<640xf32, #tpu.memory_space<vmem_shared>>) dst(%dma_wait3A_59 : memref<640xf32, #tpu.memory_space<hbm>>)
      tpu.yield
    }) : () -> ()
    return
  }
}

module attributes {stable_mosaic.version = 14 : i64} {
  func.func @_h_body(%arg0: i32, %arg1: memref<4096x128xf32, #tpu.memory_space<vmem>>, %arg2: memref<2x4096xf32, #tpu.memory_space<vmem>>, %arg3: memref<2x4096x64xf32, #tpu.memory_space<vmem>>) attributes {dimension_semantics = [#tpu.dimension_semantics<arbitrary>], iteration_bounds = array<i64: 3>, scalar_prefetch = 0 : i64, scratch_operands = 0 : i64, tpu.core_type = #tpu.core_type<tc>, window_params = [{transform_indices = @transform_0, window_bounds = array<i64: 4096, 128>}, {transform_indices = @transform_1, window_bounds = array<i64: 2, 4096>}, {transform_indices = @transform_2, window_bounds = array<i64: 2, 4096, 64>}]} {
    %get3A = arith.constant 0 : index
    %get3A_0 = arith.constant 0 : index
    %get3A_1 = vector.load %arg2[%get3A, %get3A_0] : memref<2x4096xf32, #tpu.memory_space<vmem>>, vector<1x4096xf32>
    %get3A_2 = vector.shape_cast %get3A_1 : vector<1x4096xf32> to vector<4096xf32>
    %get3A_3 = arith.constant 1 : index
    %get3A_4 = arith.constant 0 : index
    %get3A_5 = vector.load %arg2[%get3A_3, %get3A_4] : memref<2x4096xf32, #tpu.memory_space<vmem>>, vector<1x4096xf32>
    %get3A_6 = vector.shape_cast %get3A_5 : vector<1x4096xf32> to vector<4096xf32>
    %add3A = arith.addf %get3A_2, %get3A_6 : vector<4096xf32>
    %max3A = arith.constant 1.000000e+00 : f32
    %max3A_7 = vector.broadcast %max3A : f32 to vector<4096xf32>
    %max3A_8 = arith.maximumf %add3A, %max3A_7 : vector<4096xf32>
    %rsqrt3A = math.rsqrt %max3A_8 : vector<4096xf32>
    %broadcast_in_dim3A = vector.shape_cast %rsqrt3A : vector<4096xf32> to vector<4096x1xf32>
    %get3A_9 = arith.constant 0 : index
    %get3A_10 = arith.constant 0 : index
    %get3A_11 = vector.load %arg1[%get3A_9, %get3A_10] : memref<4096x128xf32, #tpu.memory_space<vmem>>, vector<4096x128xf32>
    %mul3A = vector.broadcast %broadcast_in_dim3A : vector<4096x1xf32> to vector<4096x128xf32>
    %mul3A_12 = arith.mulf %get3A_11, %mul3A : vector<4096x128xf32>
    %slice3A = vector.extract_strided_slice %mul3A_12 {offsets = [0, 0], sizes = [4096, 64], strides = [1, 1]} : vector<4096x128xf32> to vector<4096x64xf32>
    %swap3A = arith.constant 0 : index
    %swap3A_13 = arith.constant 0 : index
    %swap3A_14 = arith.constant 0 : index
    %swap3A_15 = vector.load %arg3[%swap3A, %swap3A_13, %swap3A_14] : memref<2x4096x64xf32, #tpu.memory_space<vmem>>, vector<1x4096x64xf32>
    %swap3A_16 = vector.shape_cast %swap3A_15 : vector<1x4096x64xf32> to vector<4096x64xf32>
    %swap3A_17 = vector.shape_cast %slice3A : vector<4096x64xf32> to vector<1x4096x64xf32>
    tpu.vector_store %arg3[%swap3A, %swap3A_13, %swap3A_14], %swap3A_17 {strides = array<i32>} : memref<2x4096x64xf32, #tpu.memory_space<vmem>>, vector<1x4096x64xf32>,
    %slice3A_18 = vector.extract_strided_slice %mul3A_12 {offsets = [0, 64], sizes = [4096, 64], strides = [1, 1]} : vector<4096x128xf32> to vector<4096x64xf32>
    %swap3A_19 = arith.constant 1 : index
    %swap3A_20 = arith.constant 0 : index
    %swap3A_21 = arith.constant 0 : index
    %swap3A_22 = vector.load %arg3[%swap3A_19, %swap3A_20, %swap3A_21] : memref<2x4096x64xf32, #tpu.memory_space<vmem>>, vector<1x4096x64xf32>
    %swap3A_23 = vector.shape_cast %swap3A_22 : vector<1x4096x64xf32> to vector<4096x64xf32>
    %swap3A_24 = vector.shape_cast %slice3A_18 : vector<4096x64xf32> to vector<1x4096x64xf32>
    tpu.vector_store %arg3[%swap3A_19, %swap3A_20, %swap3A_21], %swap3A_24 {strides = array<i32>} : memref<2x4096x64xf32, #tpu.memory_space<vmem>>, vector<1x4096x64xf32>,
    return
  }
  func.func @transform_0(%arg0: i32) -> (i32, i32) {
    %c0_i32 = arith.constant 0 : i32
    %c0_i32_0 = arith.constant 0 : i32
    return %arg0, %c0_i32 : i32, i32
  }
  func.func @transform_1(%arg0: i32) -> (i32, i32) {
    %c0_i32 = arith.constant 0 : i32
    %c0_i32_0 = arith.constant 0 : i32
    return %c0_i32, %arg0 : i32, i32
  }
  func.func @transform_2(%arg0: i32) -> (i32, i32, i32) {
    %c0_i32 = arith.constant 0 : i32
    %c0_i32_0 = arith.constant 0 : i32
    %c0_i32_1 = arith.constant 0 : i32
    return %c0_i32, %arg0, %c0_i32_0 : i32, i32, i32
  }
}

module attributes {stable_mosaic.version = 14 : i64} {
  func.func @_fin_body(%arg0: i32, %arg1: memref<2x4096x64xf32, #tpu.memory_space<vmem>>, %arg2: memref<4096xf32, #tpu.memory_space<vmem>>, %arg3: memref<128x128xf32, #tpu.memory_space<vmem>>, %arg4: memref<1x128xf32, #tpu.memory_space<vmem>>, %arg5: memref<4096x128xf32, #tpu.memory_space<vmem>>) attributes {dimension_semantics = [#tpu.dimension_semantics<arbitrary>], iteration_bounds = array<i64: 3>, scalar_prefetch = 0 : i64, scratch_operands = 0 : i64, tpu.core_type = #tpu.core_type<tc>, window_params = [{transform_indices = @transform_0, window_bounds = array<i64: 2, 4096, 64>}, {transform_indices = @transform_1, window_bounds = array<i64: 4096>}, {pipeline_mode = #tpu.pipeline_mode<synchronous>, transform_indices = @transform_2, window_bounds = array<i64: 128, 128>}, {pipeline_mode = #tpu.pipeline_mode<synchronous>, transform_indices = @transform_3, window_bounds = array<i64: 1, 128>}, {transform_indices = @transform_4, window_bounds = array<i64: 4096, 128>}]} {
    %get3A = arith.constant 0 : index
    %get3A_0 = arith.constant 0 : index
    %get3A_1 = arith.constant 0 : index
    %get3A_2 = vector.load %arg1[%get3A, %get3A_0, %get3A_1] : memref<2x4096x64xf32, #tpu.memory_space<vmem>>, vector<1x4096x64xf32>
    %get3A_3 = vector.shape_cast %get3A_2 : vector<1x4096x64xf32> to vector<4096x64xf32>
    %get3A_4 = arith.constant 1 : index
    %get3A_5 = arith.constant 0 : index
    %get3A_6 = arith.constant 0 : index
    %get3A_7 = vector.load %arg1[%get3A_4, %get3A_5, %get3A_6] : memref<2x4096x64xf32, #tpu.memory_space<vmem>>, vector<1x4096x64xf32>
    %get3A_8 = vector.shape_cast %get3A_7 : vector<1x4096x64xf32> to vector<4096x64xf32>
    %concatenate3A = tpu.concatenate %get3A_3, %get3A_8 in 1 : vector<4096x64xf32>, vector<4096x64xf32> -> vector<4096x128xf32>
    %get3A_9 = arith.constant 0 : index
    %get3A_10 = vector.load %arg2[%get3A_9] : memref<4096xf32, #tpu.memory_space<vmem>>, vector<4096xf32>
    %max3A = arith.constant 1.000000e+00 : f32
    %max3A_11 = vector.broadcast %max3A : f32 to vector<4096xf32>
    %max3A_12 = arith.maximumf %get3A_10, %max3A_11 : vector<4096xf32>
    %rsqrt3A = math.rsqrt %max3A_12 : vector<4096xf32>
    %broadcast_in_dim3A = vector.shape_cast %rsqrt3A : vector<4096xf32> to vector<4096x1xf32>
    %mul3A = vector.broadcast %broadcast_in_dim3A : vector<4096x1xf32> to vector<4096x128xf32>
    %mul3A_13 = arith.mulf %concatenate3A, %mul3A : vector<4096x128xf32>
    %get3A_14 = arith.constant 0 : index
    %get3A_15 = arith.constant 0 : index
    %get3A_16 = vector.load %arg3[%get3A_14, %get3A_15] : memref<128x128xf32, #tpu.memory_space<vmem>>, vector<128x128xf32>
    %dot_general3A = arith.constant dense<0.000000e+00> : vector<4096x128xf32>
    %dot_general3A_17 = tpu.matmul %mul3A_13, %get3A_16, %dot_general3A {dimension_numbers = #tpu.dot_dimension_numbers<[1], [0], [0], [1], [0, 0, 1, 1], [], []>, transpose_lhs_hint = false} : vector<4096x128xf32>, vector<128x128xf32>, vector<4096x128xf32> -> vector<4096x128xf32>
    %get3A_18 = arith.constant 0 : index
    %get3A_19 = arith.constant 0 : index
    %get3A_20 = vector.load %arg4[%get3A_18, %get3A_19] : memref<1x128xf32, #tpu.memory_space<vmem>>, vector<1x128xf32>
    %add3A = vector.broadcast %get3A_20 : vector<1x128xf32> to vector<4096x128xf32>
    %add3A_21 = arith.addf %dot_general3A_17, %add3A : vector<4096x128xf32>
    %max3A_22 = arith.constant 0.000000e+00 : f32
    %max3A_23 = vector.broadcast %max3A_22 : f32 to vector<4096x128xf32>
    %max3A_24 = arith.maximumf %add3A_21, %max3A_23 : vector<4096x128xf32>
    %swap3A = arith.constant 0 : index
    %swap3A_25 = arith.constant 0 : index
    %swap3A_26 = vector.load %arg5[%swap3A, %swap3A_25] : memref<4096x128xf32, #tpu.memory_space<vmem>>, vector<4096x128xf32>
    tpu.vector_store %arg5[%swap3A, %swap3A_25], %max3A_24 {strides = array<i32>} : memref<4096x128xf32, #tpu.memory_space<vmem>>, vector<4096x128xf32>,
    return
  }
  func.func @transform_0(%arg0: i32) -> (i32, i32, i32) {
    %c0_i32 = arith.constant 0 : i32
    %c0_i32_0 = arith.constant 0 : i32
    %c0_i32_1 = arith.constant 0 : i32
    return %c0_i32, %arg0, %c0_i32_0 : i32, i32, i32
  }
  func.func @transform_1(%arg0: i32) -> i32 {
    %c0_i32 = arith.constant 0 : i32
    return %arg0 : i32
  }
  func.func @transform_2(%arg0: i32) -> (i32, i32) {
    %c0_i32 = arith.constant 0 : i32
    %c0_i32_0 = arith.constant 0 : i32
    %c0_i32_1 = arith.constant 0 : i32
    return %c0_i32, %c0_i32_0 : i32, i32
  }
  func.func @transform_3(%arg0: i32) -> (i32, i32) {
    %c0_i32 = arith.constant 0 : i32
    %c0_i32_0 = arith.constant 0 : i32
    %c0_i32_1 = arith.constant 0 : i32
    return %c0_i32, %c0_i32_0 : i32, i32
  }
  func.func @transform_4(%arg0: i32) -> (i32, i32) {
    %c0_i32 = arith.constant 0 : i32
    %c0_i32_0 = arith.constant 0 : i32
    return %arg0, %c0_i32 : i32, i32
  }
}

</mosaic_0001>

<sc_bundles>
// kernel: kernel.6.cloned.1.call-start
scs
__scs_entry_jumppad:
0x0: {  	(pc) =	sbr.rel $0x88, $3  }
0x1: {  	(tag) =	ssettag $0x0;
	lr =	simm.s32 $0x1  }
0x2: {  	[smem:$0x3F9D] =	sst lr;
	_ =	strace $0xD0000000  }
0x3: {  	_ = 	snop  }
0x4: {  	_ = 	snop  }
0x5: {  	_ = 	snop  }
0x6: {  	_ = 	snop  }
0x7: {  	_ = 	snop  }
__scs_overlays_trampoline_lowered:
0x8: {  	[smem:$0x3FAC] =	sst s0  }
0x9: {  	[smem:$0x3FAD] =	sst s1  }
0xa: {  	[smem:$0x3FAE] =	sst s2  }
0xb: {  	[smem:$0x3FAF] =	sst s3  }
0xc: {  	[smem:$0x3FB0] =	sst s4  }
0xd: {  	[smem:$0x3FB1] =	sst s5  }
0xe: {  	[smem:$0x3FB2] =	sst s6  }
0xf: {  	[smem:$0x3FB3] =	sst s7  }
0x10: {  	[smem:$0x3FB4] =	sst s8  }
0x11: {  	[smem:$0x3FB5] =	sst s9;
	s0 =	simm.s32 @!p0 $0x0  }
0x12: {  	s1 =	sld [smem:$0x3F9B];
	s0 =	simm.s32 @p0 $0x1  }
0x13: {  	[smem:$0x3FB6] =	sst s0;
	s0 =	simm.s32 @!p1 $0x0  }
0x14: {  	s2 =	sld [smem:$0x3F9A];
	s0 =	simm.s32 @p1 $0x1  }
0x15: {  	[smem:$0x3FB7] =	sst s0;
	s0 =	simm.s32 @!p2 $0x0  }
0x16: {  	s3 =	sld [smem:$0x3FDB];
	s0 =	simm.s32 @p2 $0x1  }
0x17: {  	s4 =	simm.s32 $0x1BF5;
	[smem:$0x3FB9] =	sst s0  }
0x18: {  	s0 =	sld [smem:$0x3F9C];
	_ =	swait.ge [sflag:s4], $0x0  }
0x19: {  	s7 =	sld [smem:$0x3F9D]  }
0x1a: {  	s8 =	sadd.s32 $0xFFFFE003, lr  }
0x1b: {  	s9 =	sadd.s32 $0xFFFFFEF7, lr;
	s5 =	simm.s32 $0xFFFFFFFF;
	p2 =	slt.u32 s8, $0xFFFFF086  }
0x1c: {  	p1 =	slt.u32 s9, $0xF7A;
	s5 =	simm.s32 @!p2 $0x0  }
0x1d: {  	s5 =	simm.s32 @p1 $0x1;
	p0 =	seq.s32 s7, s2  }
0x1e: {  	s7 =	smul.u32 @!p0 $0xF7A, s2;
	p2 =	seq.s32 @!p0 s5, $0x0  }
0x1f: {  	s9 =	smul.u32 $0xF7A, s1;
	s8 =	simm.s32 @!p0 $0x1BF5;
	p2 =	por !p2, p0  }
0x20: {  	[sflag:s8] =	ssyncset.s32 @!p0 $0xFFFFF086;
	s6 =	sadd.s32 @!p0 s3, s7;
	s7 =	simm.s32 @!p0 $0x108  }
0x21: {  	s3 =	sadd.s32 s3, s9;
	s6 =	sadd.s32 @!p0 $0x88, s6;
	s7 =	simm.s32 @p2 $0x1082  }
0x22: {  	[simem:s7], [sflag:s8] =	dma.local @!p0 [hbm:s6], $0xF7A  }
0x23: {  	s9 =	sor.u32 $0xD0000000, s2;
	s6 =	simm.s32 $0x108;
	_ =	swait.ge @!p0 [sflag:s8], $0x0  }
0x24: {  	s3 =	sadd.s32 $0x88, s3;
	s6 =	simm.s32 @!p1 $0x1082;
	[sflag:s4] =	ssyncset.s32 $0xFFFFF086  }
0x25: {  	[simem:s6], [sflag:s4] =	dma.local [hbm:s3], $0xF7A  }
0x26: {  	[smem:$0x3F9D] =	sst s1;
	(tag) =	ssettag s2;
	_ =	strace s9  }
0x27: {  	s1 =	sld [smem:$0x3FAD]  }
0x28: {  	s2 =	sld [smem:$0x3FAE]  }
0x29: {  	s4 =	sld [smem:$0x3FB0]  }
0x2a: {  	p0 =	seq.s32 s5, $0x0;
	s5 =	sld [smem:$0x3FB1]  }
0x2b: {  	s6 =	sld [smem:$0x3FB2]  }
0x2c: {  	s7 =	sld [smem:$0x3FB3]  }
0x2d: {  	s3 =	simm.s32 $0x108;
	s8 =	sld [smem:$0x3FB4]  }
0x2e: {  	s3 =	simm.s32 @!p0 $0x1082;
	s9 =	sld [smem:$0x3FB5]  }
0x2f: {  	lr =	sadd.s32 s0, s3;
	s0 =	sld [smem:$0x3FAC]  }
0x30: {  	s3 =	sld [smem:$0x3FAF]  }
0x31: {  	[smem:$0x3FB8] =	sst s10  }
0x32: {  	s10 =	sld [smem:$0x3FB6];
	_ =	sdelay $0x3  }
0x33: {  	p0 =	seq.s32 s10, $0x1;
	s10 =	sld [smem:$0x3FB8];
	_ =	sdelay $0x3  }
0x34: {  	[smem:$0x3FB8] =	sst s10  }
0x35: {  	s10 =	sld [smem:$0x3FB7];
	_ =	sdelay $0x3  }
0x36: {  	p1 =	seq.s32 s10, $0x1;
	s10 =	sld [smem:$0x3FB8];
	_ =	sdelay $0x3  }
0x37: {  	[smem:$0x3FB8] =	sst s10  }
0x38: {  	s10 =	sld [smem:$0x3FB9]  }
0x39: {  	_ = 	snop;
	(pc) =	sbr.ind lr, $3  }
0x3a: {  	_ = 	snop  }
0x3b: {  	_ = 	snop  }
0x3c: {  	p2 =	seq.s32 s10, $0x1;
	s10 =	sld [smem:$0x3FB8]  }
0x3d: {  	_ =	shalt  }
0x3e: {  	_ =	shalt  }
0x3f: {  	_ =	shalt  }
0x40: {  	_ =	shalt  }
0x41: {  	_ =	shalt  }
0x42: {  	_ =	shalt  }
0x43: {  	_ =	shalt  }
0x44: {  	_ =	shalt  }
0x45: {  	_ =	shalt  }
0x46: {  	_ =	shalt  }
0x47: {  	_ =	shalt  }
0x48: {  	_ =	shalt  }
0x49: {  	_ =	shalt  }
0x4a: {  	_ =	shalt  }
0x4b: {  	_ =	shalt  }
0x4c: {  	_ =	shalt  }
0x4d: {  	_ =	shalt  }
0x4e: {  	_ =	shalt  }
0x4f: {  	_ =	shalt  }
0x50: {  	_ =	shalt  }
0x51: {  	_ =	shalt  }
0x52: {  	_ =	shalt  }
0x53: {  	_ =	shalt  }
0x54: {  	_ =	shalt  }
0x55: {  	_ =	shalt  }
0x56: {  	_ =	shalt  }
0x57: {  	_ =	shalt  }
0x58: {  	_ =	shalt  }
0x59: {  	_ =	shalt  }
0x5a: {  	_ =	shalt  }
0x5b: {  	_ =	shalt  }
0x5c: {  	_ =	shalt  }
0x5d: {  	_ =	shalt  }
0x5e: {  	_ =	shalt  }
0x5f: {  	_ =	shalt  }
0x60: {  	_ =	shalt  }
0x61: {  	_ =	shalt  }
0x62: {  	_ =	shalt  }
0x63: {  	_ =	shalt  }
0x64: {  	_ =	shalt  }
0x65: {  	_ =	shalt  }
0x66: {  	_ =	shalt  }
0x67: {  	_ =	shalt  }
0x68: {  	_ =	shalt  }
0x69: {  	_ =	shalt  }
0x6a: {  	_ =	shalt  }
0x6b: {  	_ =	shalt  }
0x6c: {  	_ =	shalt  }
0x6d: {  	_ =	shalt  }
0x6e: {  	_ =	shalt  }
0x6f: {  	_ =	shalt  }
0x70: {  	_ =	shalt  }
0x71: {  	_ =	shalt  }
0x72: {  	_ =	shalt  }
0x73: {  	_ =	shalt  }
0x74: {  	_ =	shalt  }
0x75: {  	_ =	shalt  }
0x76: {  	_ =	shalt  }
0x77: {  	_ =	shalt  }
0x78: {  	_ =	shalt  }
0x79: {  	_ =	shalt  }
0x7a: {  	_ =	shalt  }
0x7b: {  	_ =	shalt  }
0x7c: {  	_ =	shalt  }
0x7d: {  	_ =	shalt  }
0x7e: {  	_ =	shalt  }
0x7f: {  	_ =	shalt  }
0x80: {  	_ =	shalt  }
0x81: {  	_ =	shalt  }
0x82: {  	_ =	shalt  }
0x83: {  	_ =	shalt  }
0x84: {  	_ =	shalt  }
0x85: {  	_ =	shalt  }
0x86: {  	_ =	shalt  }
0x87: {  	_ =	shalt  }
.Lfunc_end0:
.L_simem_size_0:
called_computation_lowered:
.L_overlay_start_0:
0x88: {  	s2 =	sld [smem:$0x3FD9]  }
0x89: {  	s3 =	sld [smem:$0x3FFE];
	_ =	sdelay $0x1  }
0x8a: {  	s1 =	srdreg.scid  }
0x8b: {  	s0 =	sand.u32 $0x1, s1  }
0x8c: {  	s17 =	sshll.u32 s0, $0xA;
	s2 =	sadd.s32 s3, s2  }
0x8d: {  	s2 =	sadd.s32 s2, s17  }
0x8e: {  	[smem:$0x3FC4] =	sst s2  }
0x8f: {  	_ = 	snop  }
0x90: {  	s2 =	sld [smem:$0x3FD0];
	(tm) =	ssettm $0x1  }
0x91: {  	s18 =	sld [smem:$0x3FFB];
	_ =	sdelay $0x3  }
0x92: {  	_ =	strace s18  }
0x93: {  	s3 =	sld [smem:$0x3FFC];
	_ =	sdelay $0x3  }
0x94: {  	_ =	strace s3  }
0x95: {  	s3 =	sld [smem:$0x3FFD];
	_ =	sdelay $0x3  }
0x96: {  	_ =	strace s3  }
0x97: {  	_ =	strace $0x8FFFFFFF  }
0x98: {  	s19 =	sld [smem:$0x3FDB];
	_ =	sdelay $0x1  }
0x99: {  	s4 =	simm.s32 $_scs_section_size  }
0x9a: {  	s5 =	simm.s32 $_size__tile_overlayer_lowered;
	s6 =	simm.s32 $_tile_overlayer_lowered  }
0x9b: {  	s22 =	simm.s32 $0x1BFF;
	s21 =	sshll.u32 s6, $0x1;
	s3 =	sadd.s32 s4, s19  }
0x9c: {  	s7 =	simm.s32 $0x0;
	s20 =	sshll.u32 s5, $0x1;
	s5 =	sadd.s32 s21, s3  }
0x9d: {  	[timem:s7], [sflag:s22] =	dma.local [hbm:s5], s20  }
0x9e: {  	_ =	swait.ge [sflag:s22], s20  }
0x9f: {  	s4 =	ssub.s32 $0x0, s20;
	[sflag:s22] =	ssyncset.done $0x0  }
0xa0: {  	[sflag:s22] =	ssyncadd.s32 s4;
	_ =	sdelay $0x1  }
0xa1: {  	s23 =	simm.s32 $0x1B8B  }
0xa2: {  	_ =	swait.ge [sflag:s23], $0x1  }
0xa3: {  	[sflag:s23] =	ssyncset.done $0x0  }
0xa4: {  	s25 =	simm.s32 $0x1B8E;
	s24 =	sld [smem:$0x3FFE];
	[sflag:s23] =	ssyncadd.s32 $0xFFFFFFFF  }
0xa5: {  	s26 =	simm.s32 $execute0_lowered;
	[smem:$0x3FD2] =	sst s25  }
0xa6: {  	s5 =	sshll.u32 s26, $0x1;
	_ =	strace $0x80000046;
	[dreg:$0x1] =	wrdreg $0xFFFFFFFF  }
0xa7: {  	s28 =	simm.s32 $_size_execute0_lowered;
	s3 =	sadd.s32 s3, s5;
	[dreg:$0x0] =	wrdreg $0x0  }
0xa8: {  	s5 =	sshll.u32 s28, $0x1;
	[dreg:$0x2] =	wrdreg s3  }
0xa9: {  	[dreg:$0x3] =	wrdreg s5  }
0xaa: {  	[dreg:$0x4] =	wrdreg $0xC0  }
0xab: {  	_ =	task [dreg:s7], $0x5FFFF  }
0xac: {  	[dreg:$0x1] =	wrdreg $0xFFFFFFFF  }
0xad: {  	[dreg:$0x0] =	wrdreg $0x60  }
0xae: {  	[dreg:$0x2] =	wrdreg s24  }
0xaf: {  	[dreg:$0x3] =	wrdreg s2  }
0xb0: {  	[dreg:$0x4] =	wrdreg $0x29E00  }
0xb1: {  	[dreg:$0x5] =	wrdreg $0x9  }
0xb2: {  	_ =	task.clear_ibuf [dreg:s7], $0x6FFFF;
	_ =	strace $0x90000046  }
0xb3: {  	s29 =	simm.s32 $0x9;
	_ =	strace $0x80000048  }
0xb4: {  	_ =	swait.ge [sflag:s29], $0x1  }
0xb5: {  	[sflag:s29] =	ssyncadd.s32 $0xFFFFFFFF  }
0xb6: {  	_ =	strace $0x90000048  }
0xb7: {  	_ =	sfence  }
0xb8: {  	s30 =	sld [smem:$0x0];
	_ =	sdelay $0x2  }
0xb9: {  	s31 =	sshll.u32 s1, $0xD;
	s1 =	sshrl.u32 s1, $0x2  }
0xba: {  	s3 =	sand.u32 $0x4000, s31;
	s1 =	sadd.s32 s1, s30  }
0xbb: {  	s0 =	sor.u32 s3, s0;
	s1 =	sshll.u32 s1, $0x11  }
0xbc: {  	s0 =	sor.u32 s1, s0  }
0xbd: {  	s0 =	sadd.s32 $0x8F2B, s0  }
0xbe: {  	[sflag:s0] =	ssyncadd.remote.s32 $0x1  }
0xbf: {  	_ =	sfence.sel $0xFFFF  }
0xc0: {  	[dreg:$0x0] =	wrdreg $0xFFFFFFFF;
	(pc) =	sbr.abs _section_cstart, $3  }
0xc1: {  	[dreg:$0x1] =	wrdreg $0xFFFFFFFF  }
0xc2: {  	_ =	task.clear_ibuf [dreg:s7], $0x2FFFF;
	_ =	strace $0x9FFFFFFF  }
0xc3: {  	(tm) =	ssettm $0x7FFFFFFF  }
tec
execute0_lowered:
.L_overlay_start_1:
0x0: {  	(tag) =	ssettag $0x1  }
0x1: {  	s4 =	rddreg [dreg:$0x0]  }
0x2: {  	s1 =	srdreg.scid;
	s6 =	rddreg [dreg:$0x1]  }
0x3: {  	s0 =	stileid.u32;
	s2 =	rddreg [dreg:$0x2]  }
0x4: {  	s3 =	simm.s32 $0x0;
	s10 =	simm.s32 $0x1;
	s7 =	smul.u32 $0x4E20, s0  }
0x5: {  	s11 =	simm.s32 $0x50;
	s5 =	sand.u32 $0x1, s1;
	s9 =	smul.u32 $0x280, s0  }
0x6: {  	s12 =	simm.s32 $0x2710;
	s1 =	rddreg [dreg:$0x3];
	s8 =	smul.u32 $0x2710, s5  }
0x7: {  	s15 =	simm.s32 $0x0;
	[smem:$0x7FF] =	sst s3;
	s30 =	smul.u32 $0x2800, s5  }
0x8: {  	s13 =	sshll.u32 s0, $0x6;
	_ =	strace $0x80000047;
	s5 =	ssub.s32 $0x2, s5  }
0x9: {  	s13 =	sor.u32 $0x1C02, s13;
	s7 =	sadd.s32 s8, s7;
	s8 =	sadd.s32 s9, s30  }
0xa: {  	s31 =	sshrl.u32 s5, $0x1;
	s7 =	sshrl.u32 s7, $0x3;
	s8 =	sshrl.u32 s8, $0x3  }
0xb: {  	s4 =	sadd.s32 s7, s4;
	s7 =	ssub.s32 s5, s31;
	s5 =	sadd.s32 s9, s2  }
0xc: {  	s6 =	sadd.s32 s6, s8;
	s8 =	simm.s32 $0x2760;
	s9 =	simm.s32 $0x2  }
0xd: {  	v0 =	vimm.f32 $1.000000000e+00;
	v1 =	vimm.f32 $0.0e+00;
	s4 =	sadd.s32 $0x1A00, s4;
	s7 =	smax.u32 s7, $0x1;
	s14 =	sshrl.u32 s5, $0x3  }
.LBB2_1:
0xe: {  	[tilespmem:$0x2710] =	vst v0  }
0xf: {  	[tilespmem:$0x2720] =	vst v0  }
0x10: {  	[tilespmem:$0x2730] =	vst v0  }
0x11: {  	[tilespmem:$0x2740] =	vst v0  }
0x12: {  	[tilespmem:$0x2750] =	vst v0  }
0x13: {  	[tilespmem:$0x2760] =	vst v1  }
0x14: {  	[tilespmem:$0x2770] =	vst v1  }
0x15: {  	[tilespmem:$0x2780] =	vst v1  }
0x16: {  	[tilespmem:$0x2790] =	vst v1  }
0x17: {  	[tilespmem:$0x27A0] =	vst v1  }
0x18: {  	[tilespmem:$0x27B0] =	vst v1  }
0x19: {  	[tilespmem:$0x27C0] =	vst v1  }
0x1a: {  	[tilespmem:$0x27D0] =	vst v1  }
0x1b: {  	[tilespmem:$0x27E0] =	vst v1  }
0x1c: {  	[tilespmem:$0x27F0] =	vst v1  }
0x1d: {  	[tilespmem:$0x2800] =	vst v1  }
0x1e: {  	[tilespmem:$0x2810] =	vst v1  }
0x1f: {  	[tilespmem:$0x2820] =	vst v1  }
0x20: {  	[tilespmem:$0x2830] =	vst v1  }
0x21: {  	[tilespmem:$0x2840] =	vst v1  }
0x22: {  	[tilespmem:$0x2850] =	vst v1  }
0x23: {  	[tilespmem:$0x2860] =	vst v1  }
0x24: {  	[tilespmem:$0x2870] =	vst v1  }
0x25: {  	[tilespmem:$0x2880] =	vst v1  }
0x26: {  	[tilespmem:$0x2890] =	vst v1  }
0x27: {  	[tilespmem:$0x28A0] =	vst v1  }
0x28: {  	[tilespmem:$0x28B0] =	vst v1  }
0x29: {  	[tilespmem:$0x28C0] =	vst v1  }
0x2a: {  	[tilespmem:$0x28D0] =	vst v1  }
0x2b: {  	[tilespmem:$0x28E0] =	vst v1  }
0x2c: {  	[tilespmem:$0x28F0] =	vst v1  }
0x2d: {  	[tilespmem:$0x2900] =	vst v1  }
0x2e: {  	[tilespmem:$0x2910] =	vst v1  }
0x2f: {  	[tilespmem:$0x2920] =	vst v1  }
0x30: {  	[tilespmem:$0x2930] =	vst v1  }
0x31: {  	[tilespmem:$0x2940] =	vst v1  }
0x32: {  	[tilespmem:$0x2950] =	vst v1  }
0x33: {  	[tilespmem:$0x2960] =	vst v1  }
0x34: {  	[tilespmem:$0x2970] =	vst v1  }
0x35: {  	[tilespmem:$0x2980] =	vst v1  }
0x36: {  	[tilespmem:$0x2990] =	vst v1  }
0x37: {  	[tilespmem:$0x29A0] =	vst v1  }
0x38: {  	[tilespmem:$0x29B0] =	vst v1  }
0x39: {  	[tilespmem:$0x29C0] =	vst v1  }
0x3a: {  	[tilespmem:$0x29D0] =	vst v1  }
0x3b: {  	[tilespmem:s3], [sflag:$0x1] =	stream.linear.gather [hbm4b:s4+s3], $0x2710, $0x38;
	[tilespmem:$0x2C60] =	vst v63  }
0x3c: {  	_ = 	snop  }
0x3d: {  	[spmem:s5] =	stream.linear.scatter [tilespmem:s8], [sflag:$0x2], $0x280, $0x38;
	[tilespmem:$0x2C60] =	vst v63  }
0x3e: {  	_ =	swait.ge [sflag:s9], $0x280  }
0x3f: {  	[sflag:s9] =	ssyncset.done $0x0  }
0x40: {  	[sflag:s9] =	ssyncadd.s32 $0xFFFFFD80  }
0x41: {  	_ =	swait.ge [sflag:s10], $0x2710  }
0x42: {  	[sflag:s10] =	ssyncset.done $0x0  }
0x43: {  	[sflag:s10] =	ssyncadd.s32 $0xFFFFD8F0  }
0x44: {  	s16 =	simm.s32 $0x0;
	[bflag:$0x0] =	sbarrier.arrive $0xFFFF  }
0x45: {  	[spmem:s2] =	stream.indirect.scatter.add.f32 [tilespmem:s12], [sflag:$0x1], $0x1, s16, s11, $0xb8;
	[tilespmem:$0x2C60] =	vst v63  }
0x46: {  	s28 =	simm.s32 $0x50  }
0x47: {  	[spmem:s2] =	stream.indirect.scatter.add.f32 [tilespmem:s12], [sflag:$0x1], $0x1, s28, s11, $0xb8;
	[tilespmem:$0x2C60] =	vst v63  }
0x48: {  	s29 =	simm.s32 $0xA0  }
0x49: {  	[spmem:s2] =	stream.indirect.scatter.add.f32 [tilespmem:s12], [sflag:$0x1], $0x1, s29, s11, $0xb8;
	[tilespmem:$0x2C60] =	vst v63  }
0x4a: {  	s30 =	simm.s32 $0xF0  }
0x4b: {  	[spmem:s2] =	stream.indirect.scatter.add.f32 [tilespmem:s12], [sflag:$0x1], $0x1, s30, s11, $0xb8;
	[tilespmem:$0x2C60] =	vst v63  }
0x4c: {  	s31 =	simm.s32 $0x140  }
0x4d: {  	[spmem:s2] =	stream.indirect.scatter.add.f32 [tilespmem:s12], [sflag:$0x1], $0x1, s31, s11, $0xb8;
	[tilespmem:$0x2C60] =	vst v63  }
0x4e: {  	_ =	swait.ge [sflag:s10], $0x50  }
0x4f: {  	[sflag:s10] =	ssyncset.done $0x0  }
0x50: {  	[sflag:s10] =	ssyncadd.s32 $0xFFFFFFB0  }
0x51: {  	_ =	swait.ge [sflag:s10], $0x50  }
0x52: {  	[sflag:s10] =	ssyncset.done $0x0  }
0x53: {  	[sflag:s10] =	ssyncadd.s32 $0xFFFFFFB0  }
0x54: {  	_ =	swait.ge [sflag:s10], $0x50  }
0x55: {  	[sflag:s10] =	ssyncset.done $0x0  }
0x56: {  	[sflag:s10] =	ssyncadd.s32 $0xFFFFFFB0  }
0x57: {  	_ =	swait.ge [sflag:s10], $0x50  }
0x58: {  	[sflag:s10] =	ssyncset.done $0x0  }
0x59: {  	[sflag:s10] =	ssyncadd.s32 $0xFFFFFFB0  }
0x5a: {  	_ =	swait.ge [sflag:s10], $0x50  }
0x5b: {  	s17 =	simm.s32 $0xC80;
	s16 =	simm.s32 $0x640;
	[sflag:s10] =	ssyncset.done $0x0  }
.LBB2_2:
0x5c: {  	s18 =	sshra.s32 s16, $0x2  }
0x5d: {  	[sflag:s10] =	ssyncadd.s32 $0xFFFFFFB0;
	s16 =	smov.u32 s17;
	s19 =	sadd.s32 $0x640, s17  }
0x5e: {  	[spmem:s2] =	stream.indirect.scatter.add.f32 [tilespmem:s12], [sflag:$0x1], $0x1, s18, s11, $0xb8;
	[tilespmem:$0x2C60] =	vst v63  }
0x5f: {  	p0 =	sne.s32 s17, $0x9600;
	s17 =	sadd.s32 $0x50, s18  }
0x60: {  	[spmem:s2] =	stream.indirect.scatter.add.f32 [tilespmem:s12], [sflag:$0x1], $0x1, s17, s11, $0xb8;
	[tilespmem:$0x2C60] =	vst v63  }
0x61: {  	s17 =	sadd.s32 $0xA0, s18  }
0x62: {  	[spmem:s2] =	stream.indirect.scatter.add.f32 [tilespmem:s12], [sflag:$0x1], $0x1, s17, s11, $0xb8;
	[tilespmem:$0x2C60] =	vst v63  }
0x63: {  	s17 =	sadd.s32 $0xF0, s18  }
0x64: {  	[spmem:s2] =	stream.indirect.scatter.add.f32 [tilespmem:s12], [sflag:$0x1], $0x1, s17, s11, $0xb8;
	[tilespmem:$0x2C60] =	vst v63  }
0x65: {  	s17 =	sadd.s32 $0x140, s18  }
0x66: {  	[spmem:s2] =	stream.indirect.scatter.add.f32 [tilespmem:s12], [sflag:$0x1], $0x1, s17, s11, $0xb8;
	[tilespmem:$0x2C60] =	vst v63  }
0x67: {  	_ =	swait.ge [sflag:s10], $0x50  }
0x68: {  	[sflag:s10] =	ssyncset.done $0x0  }
0x69: {  	[sflag:s10] =	ssyncadd.s32 $0xFFFFFFB0  }
0x6a: {  	_ =	swait.ge [sflag:s10], $0x50  }
0x6b: {  	[sflag:s10] =	ssyncset.done $0x0  }
0x6c: {  	[sflag:s10] =	ssyncadd.s32 $0xFFFFFFB0  }
0x6d: {  	_ =	swait.ge [sflag:s10], $0x50  }
0x6e: {  	[sflag:s10] =	ssyncset.done $0x0  }
0x6f: {  	[sflag:s10] =	ssyncadd.s32 $0xFFFFFFB0  }
.Ltmp0:
0x70: {  	_ =	swait.ge [sflag:s10], $0x50;
	(pc) =	sbr.rel @p0 .LBB2_2-.Ltmp0, $4  }
0x71: {  	[sflag:s10] =	ssyncset.done $0x0  }
0x72: {  	[sflag:s10] =	ssyncadd.s32 $0xFFFFFFB0  }
0x73: {  	_ =	swait.ge [sflag:s10], $0x50  }
0x74: {  	s17 =	smov.u32 s19;
	[sflag:s10] =	ssyncset.done $0x0  }
0x75: {  	s16 =	sshra.s32 s16, $0x2;
	[sflag:s10] =	ssyncadd.s32 $0xFFFFFFB0  }
0x76: {  	[spmem:s2] =	stream.indirect.scatter.add.f32 [tilespmem:s12], [sflag:$0x1], $0x1, s16, s11, $0xb8;
	[tilespmem:$0x2C60] =	vst v63  }
0x77: {  	s17 =	sadd.s32 $0x50, s16  }
0x78: {  	[spmem:s2] =	stream.indirect.scatter.add.f32 [tilespmem:s12], [sflag:$0x1], $0x1, s17, s11, $0xb8;
	[tilespmem:$0x2C60] =	vst v63  }
0x79: {  	s30 =	sadd.s32 $0xA0, s16  }
0x7a: {  	[spmem:s2] =	stream.indirect.scatter.add.f32 [tilespmem:s12], [sflag:$0x1], $0x1, s30, s11, $0xb8;
	[tilespmem:$0x2C60] =	vst v63  }
0x7b: {  	s31 =	sadd.s32 $0xF0, s16  }
0x7c: {  	[spmem:s2] =	stream.indirect.scatter.add.f32 [tilespmem:s12], [sflag:$0x1], $0x1, s31, s11, $0xb8;
	[tilespmem:$0x2C60] =	vst v63  }
0x7d: {  	s16 =	sadd.s32 $0x140, s16  }
0x7e: {  	[spmem:s2] =	stream.indirect.scatter.add.f32 [tilespmem:s12], [sflag:$0x1], $0x1, s16, s11, $0xb8;
	[tilespmem:$0x2C60] =	vst v63  }
0x7f: {  	_ =	swait.ge [sflag:s10], $0x50  }
0x80: {  	[sflag:s10] =	ssyncset.done $0x0  }
0x81: {  	[sflag:s10] =	ssyncadd.s32 $0xFFFFFFB0  }
0x82: {  	_ =	swait.ge [sflag:s10], $0x50  }
0x83: {  	[sflag:s10] =	ssyncset.done $0x0  }
0x84: {  	[sflag:s10] =	ssyncadd.s32 $0xFFFFFFB0  }
0x85: {  	_ =	swait.ge [sflag:s10], $0x50  }
0x86: {  	[sflag:s10] =	ssyncset.done $0x0  }
0x87: {  	[sflag:s10] =	ssyncadd.s32 $0xFFFFFFB0  }
0x88: {  	_ =	swait.ge [sflag:s10], $0x50  }
0x89: {  	[sflag:s10] =	ssyncset.done $0x0  }
0x8a: {  	[sflag:s10] =	ssyncadd.s32 $0xFFFFFFB0  }
0x8b: {  	_ =	swait.ge [sflag:s10], $0x50  }
0x8c: {  	s15 =	sadd.s32 $0x1, s15;
	[sflag:s10] =	ssyncset.done $0x0  }
0x8d: {  	p0 =	sne.s32 s15, s7;
	[sflag:s10] =	ssyncadd.s32 $0xFFFFFFB0  }
.Ltmp1:
0x8e: {  	[bflag:$0x0] =	sbarrier.arrive $0xFFFF;
	(pc) =	sbr.rel @p0 .LBB2_1-.Ltmp1, $4  }
0x8f: {  	[hbm:s6], [sflag:s13] =	dma.local [spmem:s14], $0x50  }
0x90: {  	_ =	swait.ge [sflag:s9], $0x50  }
0x91: {  	[sflag:s9] =	ssyncset.done $0x0  }
0x92: {  	[sflag:s9] =	ssyncadd.s32 $0xFFFFFFB0  }
0x93: {  	_ =	sfence.sel $0x180000  }
0x94: {  	[bflag:$0x0] =	sbarrier.arrive $0xFFFF  }
0x95: {  	p0 =	sne.s32 s0, $0x0;
	_ =	strace $0x90000047  }
0x96: {  	s0 =	sadd.s32 @!p0 $0x100000, s1;
	[bflag:$0x2] =	sbarrier.arrive $0xFFFF  }
0x97: {  	[sflag:s0] =	ssyncadd.tile.s32 @!p0 $0x1;
	_ =	shalt  }
.Lfunc_end2:
_tile_overlayer_lowered:
.L_overlay_start_2:
0x98: {  	(tag) =	ssettag $0x2  }
0x99: {  	s0 =	rddreg [dreg:$0x0];
	s2 =	stileid.u32  }
0x9a: {  	s1 =	rddreg [dreg:$0x1];
	p0 =	sne.s32 s2, $0x0  }
0x9b: {  	s3 =	rddreg [dreg:$0x2];
	[bflag:$0x3] =	sbarrier.arrive $0xFFFF;
	s2 =	simm.s32 @!p0 $0x1C02  }
0x9c: {  	[timem:s3], [sflag:s2] =	dma.local @!p0 [hbm:s0], s1  }
0x9d: {  	s0 =	simm.s32 @!p0 $0x2  }
0x9e: {  	_ =	swait.ge @!p0 [sflag:s0], s1  }
0x9f: {  	s1 =	ssub.s32 @!p0 $0x0, s1;
	[sflag:s0] =	ssyncset.done @!p0 $0x0  }
0xa0: {  	[sflag:s0] =	ssyncadd.s32 @!p0 s1  }
0xa1: {  	[bflag:$0x3] =	sbarrier.arrive $0xFFFF  }
0xa2: {  	_ =	shalt  }

// kernel: kernel.9.cloned.1.call-start
scs
__scs_entry_jumppad:
0x0: {  	(pc) =	sbr.rel $0x88, $3  }
0x1: {  	(tag) =	ssettag $0x0;
	lr =	simm.s32 $0x1  }
0x2: {  	[smem:$0x3F9D] =	sst lr;
	_ =	strace $0xD0000000  }
0x3: {  	_ = 	snop  }
0x4: {  	_ = 	snop  }
0x5: {  	_ = 	snop  }
0x6: {  	_ = 	snop  }
0x7: {  	_ = 	snop  }
__scs_overlays_trampoline_lowered:
0x8: {  	[smem:$0x3FAC] =	sst s0  }
0x9: {  	[smem:$0x3FAD] =	sst s1  }
0xa: {  	[smem:$0x3FAE] =	sst s2  }
0xb: {  	[smem:$0x3FAF] =	sst s3  }
0xc: {  	[smem:$0x3FB0] =	sst s4  }
0xd: {  	[smem:$0x3FB1] =	sst s5  }
0xe: {  	[smem:$0x3FB2] =	sst s6  }
0xf: {  	[smem:$0x3FB3] =	sst s7  }
0x10: {  	[smem:$0x3FB4] =	sst s8  }
0x11: {  	[smem:$0x3FB5] =	sst s9;
	s0 =	simm.s32 @!p0 $0x0  }
0x12: {  	s1 =	sld [smem:$0x3F9B];
	s0 =	simm.s32 @p0 $0x1  }
0x13: {  	[smem:$0x3FB6] =	sst s0;
	s0 =	simm.s32 @!p1 $0x0  }
0x14: {  	s2 =	sld [smem:$0x3F9A];
	s0 =	simm.s32 @p1 $0x1  }
0x15: {  	[smem:$0x3FB7] =	sst s0;
	s0 =	simm.s32 @!p2 $0x0  }
0x16: {  	s3 =	sld [smem:$0x3FDB];
	s0 =	simm.s32 @p2 $0x1  }
0x17: {  	s4 =	simm.s32 $0x1BF5;
	[smem:$0x3FB9] =	sst s0  }
0x18: {  	s0 =	sld [smem:$0x3F9C];
	_ =	swait.ge [sflag:s4], $0x0  }
0x19: {  	s7 =	sld [smem:$0x3F9D]  }
0x1a: {  	s8 =	sadd.s32 $0xFFFFE003, lr  }
0x1b: {  	s9 =	sadd.s32 $0xFFFFFEF7, lr;
	s5 =	simm.s32 $0xFFFFFFFF;
	p2 =	slt.u32 s8, $0xFFFFF086  }
0x1c: {  	p1 =	slt.u32 s9, $0xF7A;
	s5 =	simm.s32 @!p2 $0x0  }
0x1d: {  	s5 =	simm.s32 @p1 $0x1;
	p0 =	seq.s32 s7, s2  }
0x1e: {  	s7 =	smul.u32 @!p0 $0xF7A, s2;
	p2 =	seq.s32 @!p0 s5, $0x0  }
0x1f: {  	s9 =	smul.u32 $0xF7A, s1;
	s8 =	simm.s32 @!p0 $0x1BF5;
	p2 =	por !p2, p0  }
0x20: {  	[sflag:s8] =	ssyncset.s32 @!p0 $0xFFFFF086;
	s6 =	sadd.s32 @!p0 s3, s7;
	s7 =	simm.s32 @!p0 $0x108  }
0x21: {  	s3 =	sadd.s32 s3, s9;
	s6 =	sadd.s32 @!p0 $0x88, s6;
	s7 =	simm.s32 @p2 $0x1082  }
0x22: {  	[simem:s7], [sflag:s8] =	dma.local @!p0 [hbm:s6], $0xF7A  }
0x23: {  	s9 =	sor.u32 $0xD0000000, s2;
	s6 =	simm.s32 $0x108;
	_ =	swait.ge @!p0 [sflag:s8], $0x0  }
0x24: {  	s3 =	sadd.s32 $0x88, s3;
	s6 =	simm.s32 @!p1 $0x1082;
	[sflag:s4] =	ssyncset.s32 $0xFFFFF086  }
0x25: {  	[simem:s6], [sflag:s4] =	dma.local [hbm:s3], $0xF7A  }
0x26: {  	[smem:$0x3F9D] =	sst s1;
	(tag) =	ssettag s2;
	_ =	strace s9  }
0x27: {  	s1 =	sld [smem:$0x3FAD]  }
0x28: {  	s2 =	sld [smem:$0x3FAE]  }
0x29: {  	s4 =	sld [smem:$0x3FB0]  }
0x2a: {  	p0 =	seq.s32 s5, $0x0;
	s5 =	sld [smem:$0x3FB1]  }
0x2b: {  	s6 =	sld [smem:$0x3FB2]  }
0x2c: {  	s7 =	sld [smem:$0x3FB3]  }
0x2d: {  	s3 =	simm.s32 $0x108;
	s8 =	sld [smem:$0x3FB4]  }
0x2e: {  	s3 =	simm.s32 @!p0 $0x1082;
	s9 =	sld [smem:$0x3FB5]  }
0x2f: {  	lr =	sadd.s32 s0, s3;
	s0 =	sld [smem:$0x3FAC]  }
0x30: {  	s3 =	sld [smem:$0x3FAF]  }
0x31: {  	[smem:$0x3FB8] =	sst s10  }
0x32: {  	s10 =	sld [smem:$0x3FB6];
	_ =	sdelay $0x3  }
0x33: {  	p0 =	seq.s32 s10, $0x1;
	s10 =	sld [smem:$0x3FB8];
	_ =	sdelay $0x3  }
0x34: {  	[smem:$0x3FB8] =	sst s10  }
0x35: {  	s10 =	sld [smem:$0x3FB7];
	_ =	sdelay $0x3  }
0x36: {  	p1 =	seq.s32 s10, $0x1;
	s10 =	sld [smem:$0x3FB8];
	_ =	sdelay $0x3  }
0x37: {  	[smem:$0x3FB8] =	sst s10  }
0x38: {  	s10 =	sld [smem:$0x3FB9]  }
0x39: {  	_ = 	snop;
	(pc) =	sbr.ind lr, $3  }
0x3a: {  	_ = 	snop  }
0x3b: {  	_ = 	snop  }
0x3c: {  	p2 =	seq.s32 s10, $0x1;
	s10 =	sld [smem:$0x3FB8]  }
0x3d: {  	_ =	shalt  }
0x3e: {  	_ =	shalt  }
0x3f: {  	_ =	shalt  }
0x40: {  	_ =	shalt  }
0x41: {  	_ =	shalt  }
0x42: {  	_ =	shalt  }
0x43: {  	_ =	shalt  }
0x44: {  	_ =	shalt  }
0x45: {  	_ =	shalt  }
0x46: {  	_ =	shalt  }
0x47: {  	_ =	shalt  }
0x48: {  	_ =	shalt  }
0x49: {  	_ =	shalt  }
0x4a: {  	_ =	shalt  }
0x4b: {  	_ =	shalt  }
0x4c: {  	_ =	shalt  }
0x4d: {  	_ =	shalt  }
0x4e: {  	_ =	shalt  }
0x4f: {  	_ =	shalt  }
0x50: {  	_ =	shalt  }
0x51: {  	_ =	shalt  }
0x52: {  	_ =	shalt  }
0x53: {  	_ =	shalt  }
0x54: {  	_ =	shalt  }
0x55: {  	_ =	shalt  }
0x56: {  	_ =	shalt  }
0x57: {  	_ =	shalt  }
0x58: {  	_ =	shalt  }
0x59: {  	_ =	shalt  }
0x5a: {  	_ =	shalt  }
0x5b: {  	_ =	shalt  }
0x5c: {  	_ =	shalt  }
0x5d: {  	_ =	shalt  }
0x5e: {  	_ =	shalt  }
0x5f: {  	_ =	shalt  }
0x60: {  	_ =	shalt  }
0x61: {  	_ =	shalt  }
0x62: {  	_ =	shalt  }
0x63: {  	_ =	shalt  }
0x64: {  	_ =	shalt  }
0x65: {  	_ =	shalt  }
0x66: {  	_ =	shalt  }
0x67: {  	_ =	shalt  }
0x68: {  	_ =	shalt  }
0x69: {  	_ =	shalt  }
0x6a: {  	_ =	shalt  }
0x6b: {  	_ =	shalt  }
0x6c: {  	_ =	shalt  }
0x6d: {  	_ =	shalt  }
0x6e: {  	_ =	shalt  }
0x6f: {  	_ =	shalt  }
0x70: {  	_ =	shalt  }
0x71: {  	_ =	shalt  }
0x72: {  	_ =	shalt  }
0x73: {  	_ =	shalt  }
0x74: {  	_ =	shalt  }
0x75: {  	_ =	shalt  }
0x76: {  	_ =	shalt  }
0x77: {  	_ =	shalt  }
0x78: {  	_ =	shalt  }
0x79: {  	_ =	shalt  }
0x7a: {  	_ =	shalt  }
0x7b: {  	_ =	shalt  }
0x7c: {  	_ =	shalt  }
0x7d: {  	_ =	shalt  }
0x7e: {  	_ =	shalt  }
0x7f: {  	_ =	shalt  }
0x80: {  	_ =	shalt  }
0x81: {  	_ =	shalt  }
0x82: {  	_ =	shalt  }
0x83: {  	_ =	shalt  }
0x84: {  	_ =	shalt  }
0x85: {  	_ =	shalt  }
0x86: {  	_ =	shalt  }
0x87: {  	_ =	shalt  }
.Lfunc_end0:
.L_simem_size_0:
called_computation.1_lowered:
.L_overlay_start_0:
0x88: {  	s2 =	sld [smem:$0x3FD9]  }
0x89: {  	s3 =	sld [smem:$0x3FFE];
	_ =	sdelay $0x1  }
0x8a: {  	s1 =	srdreg.scid  }
0x8b: {  	s0 =	sand.u32 $0x1, s1  }
0x8c: {  	s17 =	sshll.u32 s0, $0xA;
	s2 =	sadd.s32 s3, s2  }
0x8d: {  	s2 =	sadd.s32 s2, s17  }
0x8e: {  	[smem:$0x3FC4] =	sst s2  }
0x8f: {  	_ = 	snop  }
0x90: {  	s2 =	sld [smem:$0x3FD0];
	(tm) =	ssettm $0x1  }
0x91: {  	s18 =	sld [smem:$0x3FFB];
	_ =	sdelay $0x3  }
0x92: {  	_ =	strace s18  }
0x93: {  	s3 =	sld [smem:$0x3FFC];
	_ =	sdelay $0x3  }
0x94: {  	_ =	strace s3  }
0x95: {  	s3 =	sld [smem:$0x3FFD];
	_ =	sdelay $0x3  }
0x96: {  	_ =	strace s3  }
0x97: {  	_ =	strace $0x8FFFFFFF  }
0x98: {  	s19 =	sld [smem:$0x3FDB];
	_ =	sdelay $0x1  }
0x99: {  	s4 =	simm.s32 $_scs_section_size  }
0x9a: {  	s5 =	simm.s32 $_size__tile_overlayer_lowered;
	s6 =	simm.s32 $_tile_overlayer_lowered  }
0x9b: {  	s22 =	simm.s32 $0x1BFF;
	s21 =	sshll.u32 s6, $0x1;
	s3 =	sadd.s32 s4, s19  }
0x9c: {  	s7 =	simm.s32 $0x0;
	s20 =	sshll.u32 s5, $0x1;
	s5 =	sadd.s32 s21, s3  }
0x9d: {  	[timem:s7], [sflag:s22] =	dma.local [hbm:s5], s20  }
0x9e: {  	_ =	swait.ge [sflag:s22], s20  }
0x9f: {  	s4 =	ssub.s32 $0x0, s20;
	[sflag:s22] =	ssyncset.done $0x0  }
0xa0: {  	[sflag:s22] =	ssyncadd.s32 s4;
	_ =	sdelay $0x1  }
0xa1: {  	s23 =	simm.s32 $0x1B8B  }
0xa2: {  	_ =	swait.ge [sflag:s23], $0x1  }
0xa3: {  	[sflag:s23] =	ssyncset.done $0x0  }
0xa4: {  	s25 =	simm.s32 $0x1B8E;
	s24 =	sld [smem:$0x3FFE];
	[sflag:s23] =	ssyncadd.s32 $0xFFFFFFFF  }
0xa5: {  	s26 =	simm.s32 $execute0_lowered;
	[smem:$0x3FD2] =	sst s25  }
0xa6: {  	s5 =	sshll.u32 s26, $0x1;
	_ =	strace $0x80000049;
	[dreg:$0x1] =	wrdreg $0xFFFFFFFF  }
0xa7: {  	s28 =	simm.s32 $_size_execute0_lowered;
	s3 =	sadd.s32 s3, s5;
	[dreg:$0x0] =	wrdreg $0x0  }
0xa8: {  	s5 =	sshll.u32 s28, $0x1;
	[dreg:$0x2] =	wrdreg s3  }
0xa9: {  	[dreg:$0x3] =	wrdreg s5  }
0xaa: {  	[dreg:$0x4] =	wrdreg $0xC0  }
0xab: {  	_ =	task [dreg:s7], $0x5FFFF  }
0xac: {  	[dreg:$0x1] =	wrdreg $0xFFFFFFFF  }
0xad: {  	[dreg:$0x0] =	wrdreg $0x60  }
0xae: {  	[dreg:$0x2] =	wrdreg s2  }
0xaf: {  	[dreg:$0x3] =	wrdreg s24  }
0xb0: {  	[dreg:$0x4] =	wrdreg $0xFF100  }
0xb1: {  	[dreg:$0x5] =	wrdreg $0x19F100  }
0xb2: {  	[dreg:$0x6] =	wrdreg $0x9  }
0xb3: {  	_ =	task.clear_ibuf [dreg:s7], $0x7FFFF;
	_ =	strace $0x90000049  }
0xb4: {  	s29 =	simm.s32 $0x9;
	_ =	strace $0x8000004B  }
0xb5: {  	_ =	swait.ge [sflag:s29], $0x1  }
0xb6: {  	[sflag:s29] =	ssyncadd.s32 $0xFFFFFFFF  }
0xb7: {  	_ =	strace $0x9000004B  }
0xb8: {  	_ =	sfence  }
0xb9: {  	s30 =	sld [smem:$0x0];
	_ =	sdelay $0x2  }
0xba: {  	s31 =	sshll.u32 s1, $0xD;
	s1 =	sshrl.u32 s1, $0x2  }
0xbb: {  	s3 =	sand.u32 $0x4000, s31;
	s1 =	sadd.s32 s1, s30  }
0xbc: {  	s0 =	sor.u32 s3, s0;
	s1 =	sshll.u32 s1, $0x11  }
0xbd: {  	s0 =	sor.u32 s1, s0  }
0xbe: {  	s0 =	sadd.s32 $0x8F2B, s0  }
0xbf: {  	[sflag:s0] =	ssyncadd.remote.s32 $0x1  }
0xc0: {  	_ =	sfence.sel $0xFFFF  }
0xc1: {  	[dreg:$0x0] =	wrdreg $0xFFFFFFFF;
	(pc) =	sbr.abs _section_cstart, $3  }
0xc2: {  	[dreg:$0x1] =	wrdreg $0xFFFFFFFF  }
0xc3: {  	_ =	task.clear_ibuf [dreg:s7], $0x2FFFF;
	_ =	strace $0x9FFFFFFF  }
0xc4: {  	(tm) =	ssettm $0x7FFFFFFF  }
0xc5: {  	_ =	shalt  }
tec
execute0_lowered:
.L_overlay_start_1:
0x0: {  	(tag) =	ssettag $0x1  }
0x1: {  	s0 =	rddreg [dreg:$0x0];
	s13 =	stileid.u32  }
0x2: {  	s1 =	rddreg [dreg:$0x1];
	s8 =	smul.u32 $0xA000, s13  }
0x3: {  	s3 =	srdreg.scid;
	s7 =	smul.u32 $0x4E20, s13  }
0x4: {  	s2 =	rddreg [dreg:$0x2];
	s4 =	simm.s32 $0x0;
	s10 =	smul.u32 $0x280, s13  }
0x5: {  	s5 =	sand.u32 $0x1, s3;
	s3 =	rddreg [dreg:$0x3];
	s12 =	smul.u32 $0x28000, s13  }
0x6: {  	[smem:$0x7FF] =	sst s4;
	s13 =	smul.u32 $0xA00, s13  }
0x7: {  	s6 =	smul.u32 $0xA0000, s5;
	_ =	strace $0x8000004A;
	s11 =	ssub.s32 $0x2, s5  }
0x8: {  	s26 =	smul.u32 $0x13880, s5;
	s7 =	sshrl.u32 s7, $0x3;
	s9 =	sshrl.u32 s10, $0x3  }
0x9: {  	s24 =	sshrl.u32 s11, $0x1;
	s12 =	sshrl.u32 s12, $0x2;
	s14 =	sshrl.u32 s13, $0x2  }
0xa: {  	s16 =	sadd.s32 s8, s2;
	s6 =	sadd.s32 s8, s6;
	s7 =	sadd.s32 s7, s1  }
0xb: {  	s11 =	ssub.s32 s11, s24;
	s6 =	sshrl.u32 s6, $0x3;
	s25 =	sadd.s32 $0x1A00, s7  }
0xc: {  	s7 =	sadd.s32 $0xB640, s7;
	s17 =	smax.u32 s11, $0x1;
	[dreg:$0x5] =	wrdreg s25  }
0xd: {  	s6 =	sadd.s32 s6, s1;
	s1 =	sadd.s32 s9, s1;
	[dreg:$0x6] =	wrdreg s7  }
0xe: {  	s7 =	sadd.s32 s12, s2;
	s12 =	sadd.s32 s14, s3;
	[dreg:$0xa] =	wrdreg s17  }
0xf: {  	s9 =	sadd.s32 s0, s26;
	s0 =	sshrl.u32 s16, $0x3;
	[dreg:$0x7] =	wrdreg s12  }
0x10: {  	s15 =	sadd.s32 $0x15400, s6;
	[dreg:$0x14] =	wrdreg s0  }
0x11: {  	s1 =	sadd.s32 $0x3D400, s1;
	[dreg:$0x8] =	wrdreg s15  }
0x12: {  	s28 =	simm.s32 $0x1;
	s18 =	sadd.s32 $0x1000, s7;
	[dreg:$0x9] =	wrdreg s1  }
0x13: {  	s29 =	simm.s32 $0x2;
	s19 =	sadd.s32 $0x2000, s7;
	[dreg:$0xb] =	wrdreg s18  }
0x14: {  	s30 =	simm.s32 $0x50;
	s20 =	sadd.s32 $0x3000, s7;
	[dreg:$0xc] =	wrdreg s19  }
0x15: {  	s31 =	simm.s32 $0x9C40;
	s21 =	sadd.s32 $0x4000, s7;
	[dreg:$0xd] =	wrdreg s20  }
0x16: {  	p0 =	sne.s32 s5, $0x0;
	s22 =	sadd.s32 $0x5000, s7;
	[dreg:$0xe] =	wrdreg s21  }
0x17: {  	s5 =	simm.s32 $0xD840;
	s23 =	sadd.s32 $0x6000, s7;
	[dreg:$0xf] =	wrdreg s22  }
0x18: {  	s8 =	simm.s32 $0x4;
	s24 =	sadd.s32 $0x7000, s7;
	[dreg:$0x10] =	wrdreg s23  }
.Ltmp0:
0x19: {  	s25 =	sadd.s32 $0x8000, s7;
	[dreg:$0x11] =	wrdreg s24;
	(pc) =	sbr.rel .LBB2_1-.Ltmp0, $4  }
0x1a: {  	s14 =	simm.s32 $0x4E20;
	s26 =	sadd.s32 $0x9000, s7;
	[dreg:$0x12] =	wrdreg s25  }
0x1b: {  	s6 =	simm.s32 $0x3;
	s1 =	sadd.s32 s10, s3;
	[dreg:$0x13] =	wrdreg s26  }
0x1c: {  	s23 =	simm.s32 $0xEC40;
	s26 =	simm.s32 $0x6;
	s0 =	sshrl.u32 @!p0 s1, $0x3  }
0x1d: {  	v0 =	vimm.f32 $1.000000000e+00;
	v1 =	vimm.f32 $0.0e+00;
	s10 =	simm.s32 $0x0;
	s1 =	simm.s32 $0xB040;
	[dreg:$0x15] =	wrdreg s0  }
.LBB2_6:
0x1e: {  	_ =	swait.ge [sflag:s28], $0x1400  }
0x1f: {  	[sflag:s28] =	ssyncset.done $0x0  }
0x20: {  	s0 =	simm.s32 $0x9BA0;
	[sflag:s28] =	ssyncadd.s32 $0xFFFFEC00  }
0x21: {  	[spmem:s2] =	stream.indirect.scatter.add.f32 [tilespmem:s31], [sflag:$0x6], $0x40, s0, s30, $0xb8;
	[tilespmem:$0x1A190] =	vst v63  }
0x22: {  	_ =	swait.ge [sflag:s26], $0x1400  }
0x23: {  	[sflag:s26] =	ssyncset.done $0x0  }
0x24: {  	s0 =	simm.s32 @p0 $0x2;
	[sflag:s26] =	ssyncadd.s32 $0xFFFFEC00  }
0x25: {  	_ =	swait.ge @p0 [sflag:s0], $0x1400  }
0x26: {  	s11 =	simm.s32 @p0 $0x9BF0;
	[sflag:s0] =	ssyncset.done @p0 $0x0  }
0x27: {  	s12 =	simm.s32 @p0 $0xB040;
	[sflag:s0] =	ssyncadd.s32 @p0 $0xFFFFEC00;
	s0 =	simm.s32 @p0 $0x50  }
0x28: {  	[spmem:s2] =	stream.indirect.scatter.add.f32 @p0 [tilespmem:s12], [sflag:$0x6], $0x40, s11, s0, $0xb8;
	[tilespmem:$0x1A190] =	vst v63  }
0x29: {  	s0 =	simm.s32 @p0 $0x6  }
0x2a: {  	_ =	swait.ge @p0 [sflag:s0], $0x1400  }
0x2b: {  	s11 =	simm.s32 @!p0 $0x9BA0;
	[sflag:s0] =	ssyncset.done @p0 $0x0  }
0x2c: {  	s12 =	simm.s32 @!p0 $0xFC40;
	[sflag:s0] =	ssyncadd.s32 @p0 $0xFFFFEC00;
	s0 =	simm.s32 @!p0 $0x50  }
0x2d: {  	[spmem:s3] =	stream.indirect.scatter.add.f32 @!p0 [tilespmem:s12], [sflag:$0x5], $0x1, s11, s0, $0xb8;
	[tilespmem:$0x1A190] =	vst v63  }
0x2e: {  	_ =	swait.ge @!p0 [sflag:s17], $0x50  }
0x2f: {  	[sflag:s17] =	ssyncset.done @!p0 $0x0  }
0x30: {  	s11 =	simm.s32 @!p0 $0x2;
	[sflag:s17] =	ssyncadd.s32 @!p0 $0xFFFFFFB0  }
0x31: {  	_ =	swait.ge @!p0 [sflag:s11], $0x1400  }
0x32: {  	[sflag:s11] =	ssyncset.done @!p0 $0x0  }
0x33: {  	s13 =	simm.s32 @!p0 $0xB040;
	[sflag:s11] =	ssyncadd.s32 @!p0 $0xFFFFEC00;
	s11 =	simm.s32 @!p0 $0x9BF0  }
0x34: {  	[spmem:s2] =	stream.indirect.scatter.add.f32 @!p0 [tilespmem:s13], [sflag:$0x6], $0x40, s11, s0, $0xb8;
	[tilespmem:$0x1A190] =	vst v63  }
0x35: {  	s13 =	simm.s32 @!p0 $0x6  }
0x36: {  	_ =	swait.ge @!p0 [sflag:s13], $0x1400  }
0x37: {  	[sflag:s13] =	ssyncset.done @!p0 $0x0  }
0x38: {  	[sflag:s13] =	ssyncadd.s32 @!p0 $0xFFFFEC00  }
0x39: {  	[spmem:s3] =	stream.indirect.scatter.add.f32 @!p0 [tilespmem:s12], [sflag:$0x5], $0x1, s11, s0, $0xb8;
	[tilespmem:$0x1A190] =	vst v63  }
0x3a: {  	_ =	swait.ge @!p0 [sflag:s17], $0x50  }
0x3b: {  	[sflag:s17] =	ssyncset.done @!p0 $0x0  }
0x3c: {  	[sflag:s17] =	ssyncadd.s32 @!p0 $0xFFFFFFB0  }
0x3d: {  	_ =	swait.ge @!p0 [sflag:s17], $0x50  }
0x3e: {  	[sflag:s17] =	ssyncset.done @!p0 $0x0  }
0x3f: {  	[sflag:s17] =	ssyncadd.s32 @!p0 $0xFFFFFFB0  }
0x40: {  	_ =	swait.ge @!p0 [sflag:s17], $0x50  }
0x41: {  	[sflag:s17] =	ssyncset.done @!p0 $0x0  }
0x42: {  	[sflag:s17] =	ssyncadd.s32 @!p0 $0xFFFFFFB0  }
0x43: {  	_ =	swait.ge @!p0 [sflag:s17], $0x50  }
0x44: {  	[sflag:s17] =	ssyncset.done @!p0 $0x0  }
0x45: {  	[sflag:s17] =	ssyncadd.s32 @!p0 $0xFFFFFFB0  }
0x46: {  	_ =	swait.ge @!p0 [sflag:s17], $0x50  }
0x47: {  	[sflag:s17] =	ssyncset.done @!p0 $0x0  }
0x48: {  	[sflag:s17] =	ssyncadd.s32 @!p0 $0xFFFFFFB0  }
0x49: {  	s21 =	stileid.u32;
	[bflag:$0x0] =	sbarrier.arrive $0xFFFF  }
0x4a: {  	s0 =	sshll.u32 s21, $0x6;
	s22 =	rddreg [dreg:$0x8]  }
0x4b: {  	s0 =	sor.u32 $0x1C06, s0;
	s24 =	rddreg [dreg:$0x14]  }
0x4c: {  	[hbm:s22], [sflag:s0] =	dma.local [spmem:s24], $0x1400  }
0x4d: {  	_ =	swait.ge [sflag:s26], $0x1400  }
0x4e: {  	[sflag:s26] =	ssyncset.done $0x0;
	s11 =	rddreg [dreg:$0x9]  }
0x4f: {  	s12 =	rddreg [dreg:$0x15];
	[sflag:s26] =	ssyncadd.s32 $0xFFFFEC00  }
0x50: {  	[hbm:s11], [sflag:s0] =	dma.local @!p0 [spmem:s12], $0x50  }
0x51: {  	_ =	swait.ge @!p0 [sflag:s13], $0x50  }
0x52: {  	s10 =	sadd.s32 $0x1, s10;
	s25 =	rddreg [dreg:$0xa]  }
0x53: {  	p1 =	sne.s32 s10, s25  }
.Ltmp1:
0x54: {  	_ = 	snop;
	(pc) =	sbr.rel @!p1 .LBB2_7-.Ltmp1, $3  }
0x55: {  	_ =	sdelay $0x1  }
0x56: {  	[sflag:s13] =	ssyncset.done @!p0 $0x0  }
0x57: {  	s14 =	simm.s32 $0x4E20;
	[sflag:s13] =	ssyncadd.s32 @!p0 $0xFFFFFFB0  }
.LBB2_1:
0x58: {  	s0 =	rddreg [dreg:$0x5]  }
0x59: {  	[tilespmem:s4], [sflag:$0x1] =	stream.linear.gather [hbm4b:s0+s4], $0x4E20, $0x38;
	[tilespmem:$0x1A190] =	vst v63  }
0x5a: {  	s25 =	rddreg [dreg:$0x6]  }
0x5b: {  	[tilespmem:s14], [sflag:$0x2] =	stream.linear.gather [hbm4b:s25+s4], $0x4E20, $0x38;
	[tilespmem:$0x1A190] =	vst v63  }
0x5c: {  	[tilespmem:$0xFC40] =	vst v0  }
0x5d: {  	[tilespmem:$0xFC50] =	vst v0  }
0x5e: {  	[tilespmem:$0xFC60] =	vst v0  }
0x5f: {  	[tilespmem:$0xFC70] =	vst v0  }
0x60: {  	s12 =	simm.s32 $0x100;
	s11 =	simm.s32 $0x0;
	[tilespmem:$0xFC80] =	vst v0  }
.LBB2_2:
0x61: {  	p1 =	sne.s32 s12, $0x3F00;
	[tilespmem:s11+$0xEC70] =	vst v1;
	s13 =	smov.u32 s12;
	s12 =	sadd.s32 $0x100, s12  }
.Ltmp2:
0x62: {  	[tilespmem:s11+$0xEC60] =	vst v1;
	(pc) =	sbr.rel @p1 .LBB2_2-.Ltmp2, $3  }
0x63: {  	[tilespmem:s11+$0xEC40] =	vst v1  }
0x64: {  	[tilespmem:s11+$0xEC50] =	vst v1;
	_ =	sdelay $0x1  }
0x65: {  	s11 =	sshra.s32 s13, $0x2  }
0x66: {  	[tilespmem:s11+$0xEC70] =	vst v1  }
0x67: {  	[tilespmem:s11+$0xEC60] =	vst v1  }
0x68: {  	[tilespmem:s11+$0xEC40] =	vst v1  }
0x69: {  	[tilespmem:s11+$0xEC50] =	vst v1  }
0x6a: {  	[tilespmem:$0xFC90] =	vst v1  }
0x6b: {  	[tilespmem:$0xFCA0] =	vst v1  }
0x6c: {  	[tilespmem:$0xFCB0] =	vst v1  }
0x6d: {  	[tilespmem:$0xFCC0] =	vst v1  }
0x6e: {  	[tilespmem:$0xFCD0] =	vst v1  }
0x6f: {  	[tilespmem:$0xFCE0] =	vst v1  }
0x70: {  	[tilespmem:$0xFCF0] =	vst v1  }
0x71: {  	[tilespmem:$0xFD00] =	vst v1  }
0x72: {  	[tilespmem:$0xFD10] =	vst v1  }
0x73: {  	[tilespmem:$0xFD20] =	vst v1  }
0x74: {  	[tilespmem:$0xFD30] =	vst v1  }
0x75: {  	[tilespmem:$0xFD40] =	vst v1  }
0x76: {  	[tilespmem:$0xFD50] =	vst v1  }
0x77: {  	[tilespmem:$0xFD60] =	vst v1  }
0x78: {  	[tilespmem:$0xFD70] =	vst v1  }
0x79: {  	[tilespmem:$0xFD80] =	vst v1  }
0x7a: {  	[tilespmem:$0xFD90] =	vst v1  }
0x7b: {  	[tilespmem:$0xFDA0] =	vst v1  }
0x7c: {  	[tilespmem:$0xFDB0] =	vst v1  }
0x7d: {  	[tilespmem:$0xFDC0] =	vst v1  }
0x7e: {  	[tilespmem:$0xFDD0] =	vst v1  }
0x7f: {  	[tilespmem:$0xFDE0] =	vst v1  }
0x80: {  	[tilespmem:$0xFDF0] =	vst v1  }
0x81: {  	[tilespmem:$0xFE00] =	vst v1  }
0x82: {  	[tilespmem:$0xFE10] =	vst v1  }
0x83: {  	[tilespmem:$0xFE20] =	vst v1  }
0x84: {  	[tilespmem:$0xFE30] =	vst v1  }
0x85: {  	[tilespmem:$0xFE40] =	vst v1  }
0x86: {  	[tilespmem:$0xFE50] =	vst v1  }
0x87: {  	[tilespmem:$0xFE60] =	vst v1  }
0x88: {  	[tilespmem:$0xFE70] =	vst v1  }
0x89: {  	[tilespmem:$0xFE80] =	vst v1  }
0x8a: {  	[tilespmem:$0xFE90] =	vst v1  }
0x8b: {  	[tilespmem:$0xFEA0] =	vst v1  }
0x8c: {  	[tilespmem:$0xFEB0] =	vst v1  }
0x8d: {  	[tilespmem:$0xFEC0] =	vst v1  }
0x8e: {  	[tilespmem:$0xFED0] =	vst v1  }
0x8f: {  	[tilespmem:$0xFEE0] =	vst v1  }
0x90: {  	[tilespmem:$0xFEF0] =	vst v1  }
0x91: {  	[tilespmem:$0xFF00] =	vst v1  }
0x92: {  	[spmem:s7] =	stream.linear.scatter [tilespmem:s23], [sflag:$0x6], $0x1000, $0x38;
	[tilespmem:$0x1A190] =	vst v63  }
0x93: {  	_ =	swait.ge [sflag:s26], $0x1000  }
0x94: {  	[sflag:s26] =	ssyncset.done $0x0  }
0x95: {  	s0 =	rddreg [dreg:$0xb];
	[sflag:s26] =	ssyncadd.s32 $0xFFFFF000  }
0x96: {  	[spmem:s0] =	stream.linear.scatter [tilespmem:s23], [sflag:$0x6], $0x1000, $0x38;
	[tilespmem:$0x1A190] =	vst v63  }
0x97: {  	_ =	swait.ge [sflag:s26], $0x1000  }
0x98: {  	[sflag:s26] =	ssyncset.done $0x0  }
0x99: {  	s25 =	rddreg [dreg:$0xc];
	[sflag:s26] =	ssyncadd.s32 $0xFFFFF000  }
0x9a: {  	[spmem:s25] =	stream.linear.scatter [tilespmem:s23], [sflag:$0x6], $0x1000, $0x38;
	[tilespmem:$0x1A190] =	vst v63  }
0x9b: {  	_ =	swait.ge [sflag:s26], $0x1000  }
0x9c: {  	[sflag:s26] =	ssyncset.done $0x0  }
0x9d: {  	s11 =	rddreg [dreg:$0xd];
	[sflag:s26] =	ssyncadd.s32 $0xFFFFF000  }
0x9e: {  	[spmem:s11] =	stream.linear.scatter [tilespmem:s23], [sflag:$0x6], $0x1000, $0x38;
	[tilespmem:$0x1A190] =	vst v63  }
0x9f: {  	_ =	swait.ge [sflag:s26], $0x1000  }
0xa0: {  	[sflag:s26] =	ssyncset.done $0x0  }
0xa1: {  	s12 =	rddreg [dreg:$0xe];
	[sflag:s26] =	ssyncadd.s32 $0xFFFFF000  }
0xa2: {  	[spmem:s12] =	stream.linear.scatter [tilespmem:s23], [sflag:$0x6], $0x1000, $0x38;
	[tilespmem:$0x1A190] =	vst v63  }
0xa3: {  	_ =	swait.ge [sflag:s26], $0x1000  }
0xa4: {  	[sflag:s26] =	ssyncset.done $0x0  }
0xa5: {  	s13 =	rddreg [dreg:$0xf];
	[sflag:s26] =	ssyncadd.s32 $0xFFFFF000  }
0xa6: {  	[spmem:s13] =	stream.linear.scatter [tilespmem:s23], [sflag:$0x6], $0x1000, $0x38;
	[tilespmem:$0x1A190] =	vst v63  }
0xa7: {  	_ =	swait.ge [sflag:s26], $0x1000  }
0xa8: {  	[sflag:s26] =	ssyncset.done $0x0  }
0xa9: {  	s15 =	rddreg [dreg:$0x10];
	[sflag:s26] =	ssyncadd.s32 $0xFFFFF000  }
0xaa: {  	[spmem:s15] =	stream.linear.scatter [tilespmem:s23], [sflag:$0x6], $0x1000, $0x38;
	[tilespmem:$0x1A190] =	vst v63  }
0xab: {  	_ =	swait.ge [sflag:s26], $0x1000  }
0xac: {  	[sflag:s26] =	ssyncset.done $0x0  }
0xad: {  	s16 =	rddreg [dreg:$0x11];
	[sflag:s26] =	ssyncadd.s32 $0xFFFFF000  }
0xae: {  	[spmem:s16] =	stream.linear.scatter [tilespmem:s23], [sflag:$0x6], $0x1000, $0x38;
	[tilespmem:$0x1A190] =	vst v63  }
0xaf: {  	_ =	swait.ge [sflag:s26], $0x1000  }
0xb0: {  	[sflag:s26] =	ssyncset.done $0x0  }
0xb1: {  	s17 =	rddreg [dreg:$0x12];
	[sflag:s26] =	ssyncadd.s32 $0xFFFFF000  }
0xb2: {  	[spmem:s17] =	stream.linear.scatter [tilespmem:s23], [sflag:$0x6], $0x1000, $0x38;
	[tilespmem:$0x1A190] =	vst v63  }
0xb3: {  	_ =	swait.ge [sflag:s26], $0x1000  }
0xb4: {  	[sflag:s26] =	ssyncset.done $0x0  }
0xb5: {  	s18 =	rddreg [dreg:$0x13];
	[sflag:s26] =	ssyncadd.s32 $0xFFFFF000  }
0xb6: {  	[spmem:s18] =	stream.linear.scatter [tilespmem:s23], [sflag:$0x6], $0x1000, $0x38;
	[tilespmem:$0x1A190] =	vst v63  }
0xb7: {  	_ =	swait.ge [sflag:s26], $0x1000  }
0xb8: {  	[sflag:s26] =	ssyncset.done $0x0  }
0xb9: {  	s11 =	simm.s32 @!p0 $0xFC90;
	s0 =	rddreg [dreg:$0x7];
	[sflag:s26] =	ssyncadd.s32 $0xFFFFF000  }
0xba: {  	[spmem:s0] =	stream.linear.scatter @!p0 [tilespmem:s11], [sflag:$0x6], $0x280, $0x38;
	[tilespmem:$0x1A190] =	vst v63  }
0xbb: {  	s11 =	simm.s32 @!p0 $0x6  }
0xbc: {  	_ =	swait.ge @!p0 [sflag:s11], $0x280  }
0xbd: {  	[sflag:s11] =	ssyncset.done @!p0 $0x0  }
0xbe: {  	[sflag:s11] =	ssyncadd.s32 @!p0 $0xFFFFFD80  }
0xbf: {  	_ =	swait.ge [sflag:s28], $0x4E20  }
0xc0: {  	[sflag:s28] =	ssyncset.done $0x0  }
0xc1: {  	[sflag:s28] =	ssyncadd.s32 $0xFFFFB1E0  }
0xc2: {  	_ =	swait.ge [sflag:s29], $0x4E20  }
0xc3: {  	[sflag:s29] =	ssyncset.done $0x0  }
0xc4: {  	[sflag:s29] =	ssyncadd.s32 $0xFFFFB1E0  }
0xc5: {  	[bflag:$0x0] =	sbarrier.arrive $0xFFFF  }
0xc6: {  	[tilespmem:s31], [sflag:$0x1] =	stream.indirect.gather [hbm4b:s9+s30], $0x40, s4, s30, $0xb8;
	[tilespmem:$0x1A190] =	vst v63  }
0xc7: {  	_ = 	snop  }
0xc8: {  	[tilespmem:s1], [sflag:$0x2] =	stream.indirect.gather [hbm4b:s9+s30], $0x40, s30, s30, $0xb8;
	[tilespmem:$0x1A190] =	vst v63  }
0xc9: {  	s19 =	simm.s32 $0xA0;
	s18 =	simm.s32 $0xC440  }
0xca: {  	[tilespmem:s18], [sflag:$0x3] =	stream.indirect.gather [hbm4b:s9+s30], $0x40, s19, s30, $0xb8;
	[tilespmem:$0x1A190] =	vst v63  }
0xcb: {  	s20 =	simm.s32 $0xF0  }
0xcc: {  	[tilespmem:s5], [sflag:$0x4] =	stream.indirect.gather [hbm4b:s9+s30], $0x40, s20, s30, $0xb8;
	[tilespmem:$0x1A190] =	vst v63  }
0xcd: {  	_ =	swait.ge [sflag:s28], $0x1400  }
0xce: {  	[sflag:s28] =	ssyncset.done $0x0  }
0xcf: {  	[sflag:s28] =	ssyncadd.s32 $0xFFFFEC00  }
0xd0: {  	[spmem:s2] =	stream.indirect.scatter.add.f32 [tilespmem:s31], [sflag:$0x6], $0x40, s14, s30, $0xb8;
	[tilespmem:$0x1A190] =	vst v63  }
0xd1: {  	_ =	swait.ge [sflag:s26], $0x1400  }
0xd2: {  	s12 =	simm.s32 @p0 $0x50;
	[sflag:s26] =	ssyncset.done $0x0  }
0xd3: {  	s13 =	simm.s32 @p0 $0x140;
	s14 =	simm.s32 @p0 $0x9C40;
	[sflag:s26] =	ssyncadd.s32 $0xFFFFEC00  }
0xd4: {  	[tilespmem:s14], [sflag:$0x1] =	stream.indirect.gather @p0 [hbm4b:s9+s12], $0x40, s13, s12, $0xb8;
	[tilespmem:$0x1A190] =	vst v63  }
0xd5: {  	s13 =	simm.s32 @p0 $0x2  }
0xd6: {  	_ =	swait.ge @p0 [sflag:s13], $0x1400  }
0xd7: {  	[sflag:s13] =	ssyncset.done @p0 $0x0  }
0xd8: {  	s14 =	simm.s32 @p0 $0x4E70;
	[sflag:s13] =	ssyncadd.s32 @p0 $0xFFFFEC00;
	s13 =	simm.s32 @p0 $0xB040  }
0xd9: {  	[spmem:s2] =	stream.indirect.scatter.add.f32 @p0 [tilespmem:s13], [sflag:$0x6], $0x40, s14, s12, $0xb8;
	[tilespmem:$0x1A190] =	vst v63  }
0xda: {  	s14 =	simm.s32 @p0 $0x6  }
0xdb: {  	_ =	swait.ge @p0 [sflag:s14], $0x1400  }
0xdc: {  	s22 =	simm.s32 @!p0 $0xFC40;
	[sflag:s14] =	ssyncset.done @p0 $0x0  }
0xdd: {  	s15 =	simm.s32 @!p0 $0x50;
	s16 =	simm.s32 @!p0 $0x4E20;
	[sflag:s14] =	ssyncadd.s32 @p0 $0xFFFFEC00  }
0xde: {  	[spmem:s3] =	stream.indirect.scatter.add.f32 @!p0 [tilespmem:s22], [sflag:$0x5], $0x1, s16, s15, $0xb8;
	[tilespmem:$0x1A190] =	vst v63  }
0xdf: {  	s17 =	simm.s32 @!p0 $0x9C40;
	s16 =	simm.s32 @!p0 $0x140  }
0xe0: {  	[tilespmem:s17], [sflag:$0x1] =	stream.indirect.gather @!p0 [hbm4b:s9+s15], $0x40, s16, s15, $0xb8;
	[tilespmem:$0x1A190] =	vst v63  }
0xe1: {  	s16 =	simm.s32 @!p0 $0x2  }
0xe2: {  	_ =	swait.ge @!p0 [sflag:s16], $0x1400  }
0xe3: {  	[sflag:s16] =	ssyncset.done @!p0 $0x0  }
0xe4: {  	s17 =	simm.s32 @!p0 $0x4E70;
	[sflag:s16] =	ssyncadd.s32 @!p0 $0xFFFFEC00;
	s16 =	simm.s32 @!p0 $0xB040  }
0xe5: {  	[spmem:s2] =	stream.indirect.scatter.add.f32 @!p0 [tilespmem:s16], [sflag:$0x6], $0x40, s17, s15, $0xb8;
	[tilespmem:$0x1A190] =	vst v63  }
0xe6: {  	_ =	swait.ge @!p0 [sflag:s11], $0x1400  }
0xe7: {  	[sflag:s11] =	ssyncset.done @!p0 $0x0  }
0xe8: {  	[sflag:s11] =	ssyncadd.s32 @!p0 $0xFFFFEC00  }
0xe9: {  	[spmem:s3] =	stream.indirect.scatter.add.f32 @!p0 [tilespmem:s22], [sflag:$0x5], $0x1, s17, s15, $0xb8;
	[tilespmem:$0x1A190] =	vst v63  }
0xea: {  	s21 =	simm.s32 $0x190  }
0xeb: {  	[tilespmem:s1], [sflag:$0x2] =	stream.indirect.gather [hbm4b:s9+s30], $0x40, s21, s30, $0xb8;
	[tilespmem:$0x1A190] =	vst v63  }
0xec: {  	_ =	swait.ge [sflag:s6], $0x1400  }
0xed: {  	[sflag:s6] =	ssyncset.done $0x0  }
0xee: {  	s24 =	simm.s32 $0x4EC0;
	[sflag:s6] =	ssyncadd.s32 $0xFFFFEC00  }
0xef: {  	[spmem:s2] =	stream.indirect.scatter.add.f32 [tilespmem:s18], [sflag:$0x6], $0x40, s24, s30, $0xb8;
	[tilespmem:$0x1A190] =	vst v63  }
0xf0: {  	_ =	swait.ge [sflag:s26], $0x1400  }
0xf1: {  	[sflag:s26] =	ssyncset.done $0x0  }
0xf2: {  	s17 =	simm.s32 @p0 $0x1E0;
	s18 =	simm.s32 @p0 $0xC440;
	[sflag:s26] =	ssyncadd.s32 $0xFFFFEC00  }
0xf3: {  	[tilespmem:s18], [sflag:$0x3] =	stream.indirect.gather @p0 [hbm4b:s9+s12], $0x40, s17, s12, $0xb8;
	[tilespmem:$0x1A190] =	vst v63  }
0xf4: {  	s17 =	simm.s32 @p0 $0x4  }
0xf5: {  	_ =	swait.ge @p0 [sflag:s17], $0x1400  }
0xf6: {  	[sflag:s17] =	ssyncset.done @p0 $0x0  }
0xf7: {  	s19 =	simm.s32 @p0 $0xD840;
	[sflag:s17] =	ssyncadd.s32 @p0 $0xFFFFEC00;
	s17 =	simm.s32 @p0 $0x4F10  }
0xf8: {  	[spmem:s2] =	stream.indirect.scatter.add.f32 @p0 [tilespmem:s19], [sflag:$0x6], $0x40, s17, s12, $0xb8;
	[tilespmem:$0x1A190] =	vst v63  }
0xf9: {  	_ =	swait.ge @p0 [sflag:s14], $0x1400  }
0xfa: {  	[sflag:s14] =	ssyncset.done @p0 $0x0  }
0xfb: {  	s17 =	simm.s32 @!p0 $0x4EC0;
	[sflag:s14] =	ssyncadd.s32 @p0 $0xFFFFEC00  }
0xfc: {  	[spmem:s3] =	stream.indirect.scatter.add.f32 @!p0 [tilespmem:s22], [sflag:$0x5], $0x1, s17, s15, $0xb8;
	[tilespmem:$0x1A190] =	vst v63  }
0xfd: {  	s19 =	simm.s32 @!p0 $0xC440;
	s17 =	simm.s32 @!p0 $0x1E0  }
0xfe: {  	[tilespmem:s19], [sflag:$0x3] =	stream.indirect.gather @!p0 [hbm4b:s9+s15], $0x40, s17, s15, $0xb8;
	[tilespmem:$0x1A190] =	vst v63  }
0xff: {  	s17 =	simm.s32 @!p0 $0x4  }
0x100: {  	_ =	swait.ge @!p0 [sflag:s17], $0x1400  }
0x101: {  	[sflag:s17] =	ssyncset.done @!p0 $0x0  }
0x102: {  	s20 =	simm.s32 @!p0 $0xD840;
	[sflag:s17] =	ssyncadd.s32 @!p0 $0xFFFFEC00;
	s17 =	simm.s32 @!p0 $0x4F10  }
0x103: {  	[spmem:s2] =	stream.indirect.scatter.add.f32 @!p0 [tilespmem:s20], [sflag:$0x6], $0x40, s17, s15, $0xb8;
	[tilespmem:$0x1A190] =	vst v63  }
0x104: {  	_ =	swait.ge @!p0 [sflag:s11], $0x1400  }
0x105: {  	[sflag:s11] =	ssyncset.done @!p0 $0x0  }
0x106: {  	[sflag:s11] =	ssyncadd.s32 @!p0 $0xFFFFEC00  }
0x107: {  	[spmem:s3] =	stream.indirect.scatter.add.f32 @!p0 [tilespmem:s22], [sflag:$0x5], $0x1, s17, s15, $0xb8;
	[tilespmem:$0x1A190] =	vst v63  }
0x108: {  	s25 =	simm.s32 $0x230;
	s20 =	simm.s32 $0x0  }
0x109: {  	[tilespmem:s5], [sflag:$0x4] =	stream.indirect.gather [hbm4b:s9+s30], $0x40, s25, s30, $0xb8;
	[tilespmem:$0x1A190] =	vst v63  }
.LBB2_4:
0x10a: {  	_ =	swait.ge [sflag:s28], $0x1400  }
0x10b: {  	s21 =	sshra.s32 s20, $0x2;
	[sflag:s28] =	ssyncset.done $0x0  }
0x10c: {  	s17 =	sadd.s32 $0x4F60, s21;
	[sflag:s28] =	ssyncadd.s32 $0xFFFFEC00  }
0x10d: {  	[spmem:s2] =	stream.indirect.scatter.add.f32 [tilespmem:s31], [sflag:$0x6], $0x40, s17, s30, $0xb8;
	[tilespmem:$0x1A190] =	vst v63  }
0x10e: {  	_ =	swait.ge [sflag:s26], $0x1400  }
0x10f: {  	[sflag:s26] =	ssyncset.done $0x0  }
0x110: {  	[sflag:s26] =	ssyncadd.s32 $0xFFFFEC00  }
0x111: {  	[spmem:s3] =	stream.indirect.scatter.add.f32 @!p0 [tilespmem:s22], [sflag:$0x5], $0x1, s17, s15, $0xb8;
	[tilespmem:$0x1A190] =	vst v63  }
0x112: {  	s17 =	simm.s32 @!p0 $0x5  }
0x113: {  	_ =	swait.ge @!p0 [sflag:s17], $0x50  }
0x114: {  	[sflag:s17] =	ssyncset.done @!p0 $0x0  }
0x115: {  	s24 =	sadd.s32 $0x280, s21;
	[sflag:s17] =	ssyncadd.s32 @!p0 $0xFFFFFFB0  }
0x116: {  	[tilespmem:s31], [sflag:$0x1] =	stream.indirect.gather [hbm4b:s9+s30], $0x40, s24, s30, $0xb8;
	[tilespmem:$0x1A190] =	vst v63  }
0x117: {  	_ =	swait.ge [sflag:s29], $0x1400  }
0x118: {  	[sflag:s29] =	ssyncset.done $0x0  }
0x119: {  	s24 =	sadd.s32 $0x4FB0, s21;
	[sflag:s29] =	ssyncadd.s32 $0xFFFFEC00  }
0x11a: {  	[spmem:s2] =	stream.indirect.scatter.add.f32 [tilespmem:s1], [sflag:$0x6], $0x40, s24, s30, $0xb8;
	[tilespmem:$0x1A190] =	vst v63  }
0x11b: {  	_ =	swait.ge [sflag:s26], $0x1400  }
0x11c: {  	s25 =	sshra.s32 @p0 s20, $0x2;
	[sflag:s26] =	ssyncset.done $0x0  }
0x11d: {  	s0 =	sadd.s32 @p0 $0x2D0, s25;
	[sflag:s26] =	ssyncadd.s32 $0xFFFFEC00  }
0x11e: {  	[tilespmem:s13], [sflag:$0x2] =	stream.indirect.gather @p0 [hbm4b:s9+s12], $0x40, s0, s12, $0xb8;
	[tilespmem:$0x1A190] =	vst v63  }
0x11f: {  	s0 =	simm.s32 @p0 $0x3  }
0x120: {  	_ =	swait.ge @p0 [sflag:s0], $0x1400  }
0x121: {  	[sflag:s0] =	ssyncset.done @p0 $0x0  }
0x122: {  	[sflag:s0] =	ssyncadd.s32 @p0 $0xFFFFEC00;
	s0 =	sadd.s32 @p0 $0x5000, s25  }
0x123: {  	[spmem:s2] =	stream.indirect.scatter.add.f32 @p0 [tilespmem:s18], [sflag:$0x6], $0x40, s0, s12, $0xb8;
	[tilespmem:$0x1A190] =	vst v63  }
0x124: {  	_ =	swait.ge @p0 [sflag:s14], $0x1400  }
0x125: {  	[sflag:s14] =	ssyncset.done @p0 $0x0  }
0x126: {  	[sflag:s14] =	ssyncadd.s32 @p0 $0xFFFFEC00  }
0x127: {  	[spmem:s3] =	stream.indirect.scatter.add.f32 @!p0 [tilespmem:s22], [sflag:$0x5], $0x1, s24, s15, $0xb8;
	[tilespmem:$0x1A190] =	vst v63  }
0x128: {  	_ =	swait.ge @!p0 [sflag:s17], $0x50  }
0x129: {  	s0 =	sshra.s32 @!p0 s20, $0x2;
	[sflag:s17] =	ssyncset.done @!p0 $0x0  }
0x12a: {  	s24 =	sadd.s32 @!p0 $0x2D0, s0;
	[sflag:s17] =	ssyncadd.s32 @!p0 $0xFFFFFFB0  }
0x12b: {  	[tilespmem:s16], [sflag:$0x2] =	stream.indirect.gather @!p0 [hbm4b:s9+s15], $0x40, s24, s15, $0xb8;
	[tilespmem:$0x1A190] =	vst v63  }
0x12c: {  	s24 =	simm.s32 @!p0 $0x3  }
0x12d: {  	_ =	swait.ge @!p0 [sflag:s24], $0x1400  }
0x12e: {  	[sflag:s24] =	ssyncset.done @!p0 $0x0  }
0x12f: {  	s0 =	sadd.s32 @!p0 $0x5000, s0;
	[sflag:s24] =	ssyncadd.s32 @!p0 $0xFFFFEC00  }
0x130: {  	[spmem:s2] =	stream.indirect.scatter.add.f32 @!p0 [tilespmem:s19], [sflag:$0x6], $0x40, s0, s15, $0xb8;
	[tilespmem:$0x1A190] =	vst v63  }
0x131: {  	_ =	swait.ge @!p0 [sflag:s11], $0x1400  }
0x132: {  	[sflag:s11] =	ssyncset.done @!p0 $0x0  }
0x133: {  	[sflag:s11] =	ssyncadd.s32 @!p0 $0xFFFFEC00  }
0x134: {  	[spmem:s3] =	stream.indirect.scatter.add.f32 @!p0 [tilespmem:s22], [sflag:$0x5], $0x1, s0, s15, $0xb8;
	[tilespmem:$0x1A190] =	vst v63  }
0x135: {  	p1 =	seq.s32 s20, $0x12C00;
	_ =	swait.ge @!p0 [sflag:s17], $0x50  }
0x136: {  	s25 =	simm.s32 @!p1 $0xC440;
	s0 =	sshra.s32 @!p1 s20, $0x2;
	[sflag:s17] =	ssyncset.done @!p0 $0x0  }
0x137: {  	s24 =	simm.s32 @!p1 $0x50;
	s0 =	sadd.s32 @!p1 $0x320, s0;
	[sflag:s17] =	ssyncadd.s32 @!p0 $0xFFFFFFB0  }
0x138: {  	[tilespmem:s25], [sflag:$0x3] =	stream.indirect.gather @!p1 [hbm4b:s9+s24], $0x40, s0, s24, $0xb8;
	[tilespmem:$0x1A190] =	vst v63  }
0x139: {  	_ =	swait.ge [sflag:s8], $0x1400  }
0x13a: {  	[sflag:s8] =	ssyncset.done $0x0  }
0x13b: {  	s0 =	sadd.s32 $0x5050, s21;
	[sflag:s8] =	ssyncadd.s32 $0xFFFFEC00  }
0x13c: {  	[spmem:s2] =	stream.indirect.scatter.add.f32 [tilespmem:s5], [sflag:$0x6], $0x40, s0, s30, $0xb8;
	[tilespmem:$0x1A190] =	vst v63  }
0x13d: {  	_ =	swait.ge [sflag:s26], $0x1400  }
0x13e: {  	[sflag:s26] =	ssyncset.done $0x0  }
.Ltmp3:
0x13f: {  	[sflag:s26] =	ssyncadd.s32 $0xFFFFEC00;
	(pc) =	sbr.rel @p1 .LBB2_6-.Ltmp3, $4  }
0x140: {  	[spmem:s3] =	stream.indirect.scatter.add.f32 @!p0 [tilespmem:s22], [sflag:$0x5], $0x1, s0, s15, $0xb8;
	[tilespmem:$0x1A190] =	vst v63  }
0x141: {  	_ =	swait.ge @!p0 [sflag:s17], $0x50  }
0x142: {  	[sflag:s17] =	ssyncset.done @!p0 $0x0  }
0x143: {  	[sflag:s17] =	ssyncadd.s32 @!p0 $0xFFFFFFB0  }
.Ltmp4:
0x144: {  	(pc) =	sbr.rel .LBB2_4-.Ltmp4, $3  }
0x145: {  	_ =	sdelay $0x1  }
0x146: {  	s0 =	sadd.s32 $0x370, s21;
	s20 =	sadd.s32 $0x500, s20  }
0x147: {  	[tilespmem:s5], [sflag:$0x4] =	stream.indirect.gather [hbm4b:s9+s30], $0x40, s0, s30, $0xb8;
	[tilespmem:$0x1A190] =	vst v63  }
.LBB2_7:
0x148: {  	_ =	sfence.sel $0x180000  }
0x149: {  	[bflag:$0x0] =	sbarrier.arrive $0xFFFF  }
0x14a: {  	_ =	strace $0x9000004A  }
0x14b: {  	s0 =	stileid.u32;
	[bflag:$0x2] =	sbarrier.arrive $0xFFFF  }
0x14c: {  	p0 =	sne.s32 s0, $0x0;
	s0 =	rddreg [dreg:$0x4]  }
0x14d: {  	s0 =	sadd.s32 @!p0 $0x100000, s0  }
0x14e: {  	[sflag:s0] =	ssyncadd.tile.s32 @!p0 $0x1;
	_ =	shalt  }
.Lfunc_end2:
_tile_overlayer_lowered:
.L_overlay_start_2:
0x14f: {  	(tag) =	ssettag $0x2  }
0x150: {  	s0 =	rddreg [dreg:$0x0];
	s2 =	stileid.u32  }
0x151: {  	s1 =	rddreg [dreg:$0x1];
	p0 =	sne.s32 s2, $0x0  }
0x152: {  	s3 =	rddreg [dreg:$0x2];
	[bflag:$0x3] =	sbarrier.arrive $0xFFFF;
	s2 =	simm.s32 @!p0 $0x1C06  }
0x153: {  	[timem:s3], [sflag:s2] =	dma.local @!p0 [hbm:s0], s1  }
0x154: {  	s0 =	simm.s32 @!p0 $0x6  }
0x155: {  	_ =	swait.ge @!p0 [sflag:s0], s1  }
0x156: {  	s1 =	ssub.s32 @!p0 $0x0, s1;
	[sflag:s0] =	ssyncset.done @!p0 $0x0  }
0x157: {  	[sflag:s0] =	ssyncadd.s32 @!p0 s1  }
0x158: {  	[bflag:$0x3] =	sbarrier.arrive $0xFFFF  }
0x159: {  	_ =	shalt  }

</sc_bundles>
